<compile_context>
chip_gen: v7x
topology: tpu7x:2x2x1
jax: 0.10.2.dev20260603
libtpu: 0.0.44.dev20260713+nightly
codegen_flags: <defaults>
</compile_context>

<pallas_src>
import functools

import jax
import jax.numpy as jnp
from jax import lax
from jax.experimental import pallas as pl
from jax.experimental.pallas import tpu as pltpu
from jax.experimental.pallas import tpu_sc as plsc

N, D, H, E = 8192, 1024, 512, 8
A = 2 * N
B = 512
Q = A + E * B
NBLK = Q // B

NC, NS = 2, 16
NW = NC * NS
WB = 128
CWB = 64


def _bdot(a, b):
    return jnp.dot(a.astype(jnp.bfloat16), b.astype(jnp.bfloat16),
                   preferred_element_type=jnp.float32)



_HI_MASK = 0xFFFF0000


def _pack_rows(v):
    r = v.astype(jnp.bfloat16).astype(jnp.float32)
    hw = r.shape[-1] // 2
    u0 = lax.bitcast_convert_type(r[:, :hw], jnp.uint32) >> 16
    u1 = lax.bitcast_convert_type(r[:, hw:], jnp.uint32) & jnp.uint32(_HI_MASK)
    return lax.bitcast_convert_type(u0 | u1, jnp.int32)


def _unpack_rows(p):
    pu = lax.bitcast_convert_type(p, jnp.uint32)
    b0 = lax.bitcast_convert_type(pu << 16, jnp.float32)
    b1 = lax.bitcast_convert_type(pu & jnp.uint32(_HI_MASK), jnp.float32)
    return b0, b1



def _gate_kernel(x_ref, gW1_ref, gb1_ref, gW2_ref, gb2_ref, gW3_ref, gb3_ref,
                 fW1_ref, fb1_ref, fW2_ref, fb2_ref,
                 sW1_ref, sb1_ref, sW2_ref, sb2_ref,
                 probs_ref, i1_ref, i2_ref, w1_ref, w2_ref,
                 fiber_ref, smooth_ref, xb_ref):
    x = x_ref[...]
    xb_ref[...] = _pack_rows(x)
    h = jnp.maximum(_bdot(x, gW1_ref[...]) + gb1_ref[...], 0.0)
    h = jnp.maximum(_bdot(h, gW2_ref[...]) + gb2_ref[...], 0.0)
    logits = _bdot(h, gW3_ref[...]) + gb3_ref[...]
    m = jnp.max(logits, axis=-1, keepdims=True)
    ex = jnp.exp(logits - m)
    p = ex / jnp.sum(ex, axis=-1, keepdims=True)
    probs_ref[...] = p

    col = jax.lax.broadcasted_iota(jnp.int32, p.shape, 1)
    v1 = jnp.max(p, axis=-1, keepdims=True)
    i1 = jnp.min(jnp.where(p == v1, col, E), axis=-1, keepdims=True)
    pm = jnp.where(col == i1, -1.0, p)
    v2 = jnp.max(pm, axis=-1, keepdims=True)
    i2 = jnp.min(jnp.where(pm == v2, col, E), axis=-1, keepdims=True)
    s = v1 + v2
    i1_ref[...] = i1
    i2_ref[...] = i2
    w1_ref[...] = v1 / s
    w2_ref[...] = v2 / s

    fh = jnp.maximum(_bdot(x, fW1_ref[...]) + fb1_ref[...], 0.0)
    fiber_ref[...] = jnp.tanh(_bdot(fh, fW2_ref[...]) + fb2_ref[...])
    sh = jnp.maximum(_bdot(x, sW1_ref[...]) + sb1_ref[...], 0.0)
    smooth_ref[...] = jax.nn.sigmoid(_bdot(sh, sW2_ref[...]) + sb2_ref[...])


def _run_gate(x, gW1, gb1, gW2, gb2, gW3, gb3, fW1, fb1, fW2, fb2,
              sW1, sb1, sW2, sb2):
    TB = 1024
    r2 = lambda b: b.reshape(1, -1)
    full = lambda shape: pl.BlockSpec(shape, lambda i: tuple(0 for _ in shape))
    return pl.pallas_call(
        _gate_kernel,
        grid=(N // TB,),
        in_specs=[
            pl.BlockSpec((TB, D), lambda i: (i, 0)),
            full((D, H)), full((1, H)), full((H, H)), full((1, H)),
            full((H, E)), full((1, E)),
            full((D, H)), full((1, H)), full((H, 1)), full((1, 1)),
            full((D, H)), full((1, H)), full((H, 1)), full((1, 1)),
        ],
        out_specs=[
            pl.BlockSpec((TB, E), lambda i: (i, 0)),
            pl.BlockSpec((TB, 1), lambda i: (i, 0)),
            pl.BlockSpec((TB, 1), lambda i: (i, 0)),
            pl.BlockSpec((TB, 1), lambda i: (i, 0)),
            pl.BlockSpec((TB, 1), lambda i: (i, 0)),
            pl.BlockSpec((TB, 1), lambda i: (i, 0)),
            pl.BlockSpec((TB, 1), lambda i: (i, 0)),
            pl.BlockSpec((TB, D // 2), lambda i: (i, 0)),
        ],
        out_shape=[
            jax.ShapeDtypeStruct((N, E), jnp.float32),
            jax.ShapeDtypeStruct((N, 1), jnp.int32),
            jax.ShapeDtypeStruct((N, 1), jnp.int32),
            jax.ShapeDtypeStruct((N, 1), jnp.float32),
            jax.ShapeDtypeStruct((N, 1), jnp.float32),
            jax.ShapeDtypeStruct((N, 1), jnp.float32),
            jax.ShapeDtypeStruct((N, 1), jnp.float32),
            jax.ShapeDtypeStruct((N, D // 2), jnp.int32),
        ],
        compiler_params=pltpu.CompilerParams(
            dimension_semantics=("parallel",)),
    )(x, gW1, r2(gb1), gW2, r2(gb2), gW3, r2(gb3),
      fW1, r2(fb1), fW2, r2(fb2), sW1, r2(sb1), sW2, r2(sb2))



def _route(i1, i2, w1, w2):
    ids = jnp.concatenate([i1[:, 0], i2[:, 0]])
    onehot = (ids[:, None] == jnp.arange(E, dtype=jnp.int32)[None, :])
    oh = onehot.astype(jnp.int16)
    ranks_inc = jnp.cumsum(oh, axis=0)
    counts = ranks_inc[-1].astype(jnp.int32)
    nb = (counts + B - 1) // B
    ends = jnp.cumsum(nb)
    po = jnp.concatenate([jnp.zeros((1,), jnp.int32),
                          (ends[:-1] * B).astype(jnp.int32)])
    pp = jnp.sum(jnp.where(onehot, ranks_inc - oh + po[None, :], 0),
                 axis=1).astype(jnp.int32)
    bidx = jnp.arange(NBLK, dtype=jnp.int32)
    be = jnp.minimum(
        jnp.sum((bidx[:, None] >= ends[None, :]).astype(jnp.int32), axis=1),
        E - 1).astype(jnp.int32)
    return pp, be



def _sc_dispatch(xb, pp):
    mesh = plsc.VectorSubcoreMesh(core_axis_name="c", subcore_axis_name="s")

    @functools.partial(
        pl.kernel, mesh=mesh,
        out_type=jax.ShapeDtypeStruct((Q, D // 2), jnp.int32),
        scratch_types=[pltpu.VMEM((WB,), jnp.int32),
                       pltpu.VMEM((WB, D // 2), jnp.int32)],
    )
    def dispatch(x_hbm, pp_hbm, xg_hbm, idx_v, rows_v):
        wid = lax.axis_index("s") * NC + lax.axis_index("c")
        base = wid * (N // NW)

        @pl.loop(0, N // NW, step=WB)
        def _(off):
            t = base + off
            pltpu.sync_copy(x_hbm.at[pl.ds(t, WB)], rows_v)
            pltpu.sync_copy(pp_hbm.at[pl.ds(t, WB)], idx_v)
            pltpu.sync_copy(rows_v, xg_hbm.at[idx_v])
            pltpu.sync_copy(pp_hbm.at[pl.ds(N + t, WB)], idx_v)
            pltpu.sync_copy(rows_v, xg_hbm.at[idx_v])

    return dispatch(xb, pp)



def _expert_kernel(be_ref, xg_ref, eW1a_ref, eW1b_ref, eb1_ref, eW2_ref,
                   eb2_ref, eW3_ref, eb3_ref, ys_ref):
    b0, b1 = _unpack_rows(xg_ref[...])
    h = jnp.maximum(_bdot(b0, eW1a_ref[0]) + _bdot(b1, eW1b_ref[0])
                    + eb1_ref[0], 0.0)
    h = jnp.maximum(_bdot(h, eW2_ref[0]) + eb2_ref[0], 0.0)
    o = _bdot(h, eW3_ref[0]) + eb3_ref[0]
    ys_ref[...] = _pack_rows(o)


def _run_experts(xg, be, eW1, eb1, eW2, eb2, eW3, eb3):
    grid_spec = pltpu.PrefetchScalarGridSpec(
        num_scalar_prefetch=1,
        grid=(NBLK,),
        in_specs=[
            pl.BlockSpec((B, D // 2), lambda b, be: (b, 0)),
            pl.BlockSpec((1, D // 2, H), lambda b, be: (be[b], 0, 0)),
            pl.BlockSpec((1, D // 2, H), lambda b, be: (be[b], 1, 0)),
            pl.BlockSpec((1, 1, H), lambda b, be: (be[b], 0, 0)),
            pl.BlockSpec((1, H, H), lambda b, be: (be[b], 0, 0)),
            pl.BlockSpec((1, 1, H), lambda b, be: (be[b], 0, 0)),
            pl.BlockSpec((1, H, D), lambda b, be: (be[b], 0, 0)),
            pl.BlockSpec((1, 1, D), lambda b, be: (be[b], 0, 0)),
        ],
        out_specs=pl.BlockSpec((B, D // 2), lambda b, be: (b, 0)),
    )
    return pl.pallas_call(
        _expert_kernel,
        grid_spec=grid_spec,
        out_shape=jax.ShapeDtypeStruct((Q, D // 2), jnp.int32),
        compiler_params=pltpu.CompilerParams(
            dimension_semantics=("arbitrary",)),
    )(be, xg, eW1, eW1, eb1[:, None, :], eW2, eb2[:, None, :],
      eW3, eb3[:, None, :])



def _sc_combine(ys, pp):
    mesh = plsc.VectorSubcoreMesh(core_axis_name="c", subcore_axis_name="s")

    @functools.partial(
        pl.kernel, mesh=mesh,
        out_type=jax.ShapeDtypeStruct((A, D // 2), jnp.int32),
        scratch_types=[pltpu.VMEM((A // NW,), jnp.int32),
                       pltpu.VMEM((CWB, D // 2), jnp.int32),
                       pltpu.VMEM((CWB, D // 2), jnp.int32),
                       pltpu.SemaphoreType.DMA,
                       pltpu.SemaphoreType.DMA],
    )
    def combine(ys_hbm, pp_hbm, g_hbm, idx_v, rows0_v, rows1_v, sem0, sem1):
        wid = lax.axis_index("s") * NC + lax.axis_index("c")
        base = wid * (A // NW)
        nw_ = (A // NW) // CWB
        pltpu.sync_copy(pp_hbm.at[pl.ds(base, A // NW)], idx_v)
        bufs = [(rows0_v, sem0), (rows1_v, sem1)]
        cps = [None] * nw_
        for w in range(nw_):
            rv, sm = bufs[w % 2]
            if w >= 2:
                cps[w - 2].wait()
                pltpu.sync_copy(rv, g_hbm.at[pl.ds(base + (w - 2) * CWB, CWB)])
            cps[w] = pltpu.async_copy(
                ys_hbm.at[idx_v.at[pl.ds(w * CWB, CWB)]], rv, sem=sm)
        for w in range(nw_ - 2, nw_):
            rv, _ = bufs[w % 2]
            cps[w].wait()
            pltpu.sync_copy(rv, g_hbm.at[pl.ds(base + w * CWB, CWB)])

    return combine(ys, pp)


def _add_kernel(g0_ref, g1_ref, w1_ref, w2_ref, out_ref):
    a0, a1 = _unpack_rows(g0_ref[...])
    b0, b1 = _unpack_rows(g1_ref[...])
    w1 = w1_ref[...]
    w2 = w2_ref[...]
    out_ref[:, :D // 2] = a0 * w1 + b0 * w2
    out_ref[:, D // 2:] = a1 * w1 + b1 * w2


def _run_add(g, w1, w2):
    TB = 1024
    nb = N // TB
    return pl.pallas_call(
        _add_kernel,
        grid=(nb,),
        in_specs=[
            pl.BlockSpec((TB, D // 2), lambda i: (i, 0)),
            pl.BlockSpec((TB, D // 2), lambda i: (i + nb, 0)),
            pl.BlockSpec((TB, 1), lambda i: (i, 0)),
            pl.BlockSpec((TB, 1), lambda i: (i, 0)),
        ],
        out_specs=pl.BlockSpec((TB, D), lambda i: (i, 0)),
        out_shape=jax.ShapeDtypeStruct((N, D), jnp.float32),
        compiler_params=pltpu.CompilerParams(
            dimension_semantics=("parallel",)),
    )(g, g, w1, w2)



def kernel(x, eW1, eb1, eW2, eb2, eW3, eb3, gW1, gb1, gW2, gb2, gW3, gb3,
           fW1, fb1, fW2, fb2, sW1, sb1, sW2, sb2):
    (gate_probs, i1, i2, w1, w2, fiber, smooth, xb) = _run_gate(
        x, gW1, gb1, gW2, gb2, gW3, gb3, fW1, fb1, fW2, fb2,
        sW1, sb1, sW2, sb2)

    pp, be = _route(i1, i2, w1, w2)
    xg = _sc_dispatch(xb, pp)
    ys = _run_experts(xg, be, eW1, eb1, eW2, eb2, eW3, eb3)
    g = _sc_combine(ys, pp)
    out = _run_add(g, w1, w2)
    return (out, gate_probs, fiber, smooth)

# --- scband reference (transcript-rebuilt; emitter-appended) ---
"""Pipeline reference for scband-geometric-aware-mo-e-58377195487791 (READ-ONLY COPY).

The authoritative reference and input builder live on the scoring server;
editing this copy changes nothing except your own understanding.
"""

import jax, jax.numpy as jnp
import numpy as np

N, D, H, E, TOPK = 8192, 1024, 512, 8, 2

def setup_inputs(seed: int = 0) -> dict:
    key = jax.random.key(seed)
    ks = jax.random.split(key, 16)
    s = 0.02
    inp = {}
    inp['x'] = jax.random.normal(ks[0], (N, D), dtype=jnp.float32)
    inp['eW1'] = jax.random.normal(ks[1], (E, D, H), dtype=jnp.float32) * s
    inp['eb1'] = jnp.zeros((E, H), dtype=jnp.float32)
    inp['eW2'] = jax.random.normal(ks[2], (E, H, H), dtype=jnp.float32) * s
    inp['eb2'] = jnp.zeros((E, H), dtype=jnp.float32)
    inp['eW3'] = jax.random.normal(ks[3], (E, H, D), dtype=jnp.float32) * s
    inp['eb3'] = jnp.zeros((E, D), dtype=jnp.float32)
    inp['gW1'] = jax.random.normal(ks[4], (D, H), dtype=jnp.float32) * s
    inp['gb1'] = jnp.zeros((H,), dtype=jnp.float32)
    inp['gW2'] = jax.random.normal(ks[5], (H, H), dtype=jnp.float32) * s
    inp['gb2'] = jnp.zeros((H,), dtype=jnp.float32)
    inp['gW3'] = jax.random.normal(ks[6], (H, E), dtype=jnp.float32) * s
    inp['gb3'] = jnp.zeros((E,), dtype=jnp.float32)
    inp['fW1'] = jax.random.normal(ks[7], (D, H), dtype=jnp.float32) * s
    inp['fb1'] = jnp.zeros((H,), dtype=jnp.float32)
    inp['fW2'] = jax.random.normal(ks[8], (H, 1), dtype=jnp.float32) * s
    inp['fb2'] = jnp.zeros((1,), dtype=jnp.float32)
    inp['sW1'] = jax.random.normal(ks[9], (D, H), dtype=jnp.float32) * s
    inp['sb1'] = jnp.zeros((H,), dtype=jnp.float32)
    inp['sW2'] = jax.random.normal(ks[10], (H, 1), dtype=jnp.float32) * s
    inp['sb2'] = jnp.zeros((1,), dtype=jnp.float32)
    return inp

def _forward(x, eW1, eb1, eW2, eb2, eW3, eb3, gW1, gb1, gW2, gb2, gW3, gb3, fW1, fb1, fW2, fb2, sW1, sb1, sW2, sb2):
    # gate network (dropout = identity in eval mode)
    h = jax.nn.relu(x @ gW1 + gb1)
    h = jax.nn.relu(h @ gW2 + gb2)
    gate_logits = h @ gW3 + gb3
    gate_probs = jax.nn.softmax(gate_logits, axis=-1)
    top_v, top_i = jax.lax.top_k(gate_probs, TOPK)
    top_v = top_v / jnp.sum(top_v, axis=-1, keepdims=True)
    # all experts computed densely for every token, as in the torch code
    eh = jax.nn.relu(jnp.einsum('nd,edh->enh', x, eW1) + eb1[:, None, :])
    eh = jax.nn.relu(jnp.einsum('enh,ehk->enk', eh, eW2) + eb2[:, None, :])
    eo = jnp.einsum('enh,ehd->end', eh, eW3) + eb3[:, None, :]  # [E, N, D]
    rows = jnp.arange(x.shape[0])
    out = jnp.zeros_like(x)
    for i in range(TOPK):
        idx = top_i[:, i]                # [N]
        w = top_v[:, i:i + 1]            # [N, 1]
        sel = eo[idx, rows]              # gather per-token expert output [N, D]
        out = out + w * sel
    fb = jax.nn.relu(x @ fW1 + fb1)
    fiber = jnp.tanh(fb @ fW2 + fb2)
    sm = jax.nn.relu(x @ sW1 + sb1)
    smooth = jax.nn.sigmoid(sm @ sW2 + sb2)
    return (out, gate_probs, fiber, smooth)

def reference(x, eW1, eb1, eW2, eb2, eW3, eb3, gW1, gb1, gW2, gb2, gW3, gb3, fW1, fb1, fW2, fb2, sW1, sb1, sW2, sb2):
    return _forward(x, eW1, eb1, eW2, eb2, eW3, eb3, gW1, gb1, gW2, gb2, gW3, gb3, fW1, fb1, fW2, fb2, sW1, sb1, sW2, sb2)

if __name__ == "__main__":
    import jax
    _d = setup_inputs()
    print(jax.jit(kernel)(*tuple(_d.values())))

</pallas_src>

<mosaic_0001>
#map = affine_map<(d0, d1) -> (0, 0)>
#map1 = affine_map<(d0, d1) -> (0)>
module attributes {stable_mosaic.version = 14 : i64} {
  func.func @dispatch(%arg0: i32, %arg1: i32, %arg2: memref<8192x512xi32, #tpu.memory_space<hbm>>, %arg3: memref<16384xi32, #tpu.memory_space<hbm>>, %arg4: memref<20480x512xi32, #tpu.memory_space<hbm>>, %arg5: memref<128xi32, #tpu.memory_space<vmem>>, %arg6: memref<128x512xi32, #tpu.memory_space<vmem>>) attributes {dimension_semantics = [#tpu.dimension_semantics<core_parallel>, #tpu.dimension_semantics<subcore_parallel>], iteration_bounds = array<i64: 2, 16>, scalar_prefetch = 0 : i64, scratch_operands = 2 : i64, tpu.core_type = #tpu.core_type<sc_vector_subcore>, window_params = [{transform_indices = #map}, {transform_indices = #map1}, {transform_indices = #map}]} {
    %mul3A = arith.constant 2 : i32
    %mul3A_0 = arith.muli %arg1, %mul3A : i32
    %add3A = arith.addi %mul3A_0, %arg0 : i32
    %mul3A_1 = arith.constant 256 : i32
    %mul3A_2 = arith.muli %add3A, %mul3A_1 : i32
    %scan3A = arith.constant 0 : i32
    %scan3A_3 = arith.constant 2 : i32
    %scan3A_4 = arith.addi %scan3A, %scan3A_3 : i32
    %scan3A_5 = arith.constant 1 : i32
    scf.for %scan3A_7 = %scan3A to %scan3A_4 step %scan3A_5  : i32 {
      %mul3A_8 = arith.constant 128 : i32
      %mul3A_9 = arith.muli %scan3A_7, %mul3A_8 : i32
      %add3A_10 = arith.constant 0 : i32
      %add3A_11 = arith.addi %add3A_10, %mul3A_9 : i32
      %add3A_12 = arith.addi %mul3A_2, %add3A_11 : i32
      "tpu.region"() ({
        %run_scoped3A = tpu.sem_alloc : memref<!tpu.dma_semaphore, #tpu.memory_space<semaphore_mem>>
        %dma_start3A = arith.constant 0 : i32
        %dma_start3A_15 = tpu.memref_slice %arg2[%add3A_12, %dma_start3A] : memref<8192x512xi32, #tpu.memory_space<hbm>> -> memref<128x512xi32, #tpu.memory_space<hbm>>
        %dma_start3A_16 = arith.constant 0 : i32
        %dma_start3A_17 = tpu.memref_slice %arg2[%add3A_12, %dma_start3A_16] : memref<8192x512xi32, #tpu.memory_space<hbm>> -> memref<128x512xi32, #tpu.memory_space<hbm>>
        tpu.enqueue_dma source(%dma_start3A_17 : memref<128x512xi32, #tpu.memory_space<hbm>>) target(%arg6 : memref<128x512xi32, #tpu.memory_space<vmem>>) target_semaphore(%run_scoped3A : memref<!tpu.dma_semaphore, #tpu.memory_space<semaphore_mem>>)
        %dma_wait3A = arith.constant 0 : i32
        %dma_wait3A_18 = tpu.memref_slice %arg2[%add3A_12, %dma_wait3A] : memref<8192x512xi32, #tpu.memory_space<hbm>> -> memref<128x512xi32, #tpu.memory_space<hbm>>
        %dma_wait3A_19 = arith.constant 0 : i32
        %dma_wait3A_20 = tpu.memref_slice %arg2[%add3A_12, %dma_wait3A_19] : memref<8192x512xi32, #tpu.memory_space<hbm>> -> memref<128x512xi32, #tpu.memory_space<hbm>>
        tpu.wait_dma2 semaphore(%run_scoped3A : memref<!tpu.dma_semaphore, #tpu.memory_space<semaphore_mem>>) src(%dma_wait3A_20 : memref<128x512xi32, #tpu.memory_space<hbm>>) dst(%arg6 : memref<128x512xi32, #tpu.memory_space<vmem>>)
        tpu.yield
      }) : () -> ()
      "tpu.region"() ({
        %run_scoped3A = tpu.sem_alloc : memref<!tpu.dma_semaphore, #tpu.memory_space<semaphore_mem>>
        %dma_start3A = tpu.memref_slice %arg3[%add3A_12] : memref<16384xi32, #tpu.memory_space<hbm>> -> memref<128xi32, #tpu.memory_space<hbm>>
        %dma_start3A_15 = tpu.memref_slice %arg3[%add3A_12] : memref<16384xi32, #tpu.memory_space<hbm>> -> memref<128xi32, #tpu.memory_space<hbm>>
        tpu.enqueue_dma source(%dma_start3A_15 : memref<128xi32, #tpu.memory_space<hbm>>) target(%arg5 : memref<128xi32, #tpu.memory_space<vmem>>) target_semaphore(%run_scoped3A : memref<!tpu.dma_semaphore, #tpu.memory_space<semaphore_mem>>)
        %dma_wait3A = tpu.memref_slice %arg3[%add3A_12] : memref<16384xi32, #tpu.memory_space<hbm>> -> memref<128xi32, #tpu.memory_space<hbm>>
        %dma_wait3A_16 = tpu.memref_slice %arg3[%add3A_12] : memref<16384xi32, #tpu.memory_space<hbm>> -> memref<128xi32, #tpu.memory_space<hbm>>
        tpu.wait_dma2 semaphore(%run_scoped3A : memref<!tpu.dma_semaphore, #tpu.memory_space<semaphore_mem>>) src(%dma_wait3A_16 : memref<128xi32, #tpu.memory_space<hbm>>) dst(%arg5 : memref<128xi32, #tpu.memory_space<vmem>>)
        tpu.yield
      }) : () -> ()
      "tpu.region"() ({
        %run_scoped3A = tpu.sem_alloc : memref<!tpu.dma_semaphore, #tpu.memory_space<semaphore_mem>>
        %dma_start3A = arith.constant 0 : i32
        %dma_start3A_15 = arith.constant 0 : i32
        %dma_start3A_16 = tpu.memref_slice %arg4[%dma_start3A, %dma_start3A_15] : memref<20480x512xi32, #tpu.memory_space<hbm>> -> memref<20480x512xi32, #tpu.memory_space<hbm>>
        tpu.enqueue_indirect_dma source(%arg6 : memref<128x512xi32, #tpu.memory_space<vmem>>) target(%dma_start3A_16 : memref<20480x512xi32, #tpu.memory_space<hbm>>) offsets(%arg5 : memref<128xi32, #tpu.memory_space<vmem>>) semaphore(%run_scoped3A : memref<!tpu.dma_semaphore, #tpu.memory_space<semaphore_mem>>)
        %dma_wait3A = arith.constant 0 : i32
        %dma_wait3A_17 = arith.constant 0 : i32
        %dma_wait3A_18 = tpu.memref_slice %arg4[%dma_wait3A, %dma_wait3A_17] : memref<20480x512xi32, #tpu.memory_space<hbm>> -> memref<20480x512xi32, #tpu.memory_space<hbm>>
        tpu.wait_indirect_dma semaphore(%run_scoped3A : memref<!tpu.dma_semaphore, #tpu.memory_space<semaphore_mem>>) src(%arg6 : memref<128x512xi32, #tpu.memory_space<vmem>>) dst(%dma_wait3A_18 : memref<20480x512xi32, #tpu.memory_space<hbm>>)
        tpu.yield
      }) : () -> ()
      %add3A_13 = arith.constant 8192 : i32
      %add3A_14 = arith.addi %add3A_13, %add3A_12 : i32
      "tpu.region"() ({
        %run_scoped3A = tpu.sem_alloc : memref<!tpu.dma_semaphore, #tpu.memory_space<semaphore_mem>>
        %dma_start3A = tpu.memref_slice %arg3[%add3A_14] : memref<16384xi32, #tpu.memory_space<hbm>> -> memref<128xi32, #tpu.memory_space<hbm>>
        %dma_start3A_15 = tpu.memref_slice %arg3[%add3A_14] : memref<16384xi32, #tpu.memory_space<hbm>> -> memref<128xi32, #tpu.memory_space<hbm>>
        tpu.enqueue_dma source(%dma_start3A_15 : memref<128xi32, #tpu.memory_space<hbm>>) target(%arg5 : memref<128xi32, #tpu.memory_space<vmem>>) target_semaphore(%run_scoped3A : memref<!tpu.dma_semaphore, #tpu.memory_space<semaphore_mem>>)
        %dma_wait3A = tpu.memref_slice %arg3[%add3A_14] : memref<16384xi32, #tpu.memory_space<hbm>> -> memref<128xi32, #tpu.memory_space<hbm>>
        %dma_wait3A_16 = tpu.memref_slice %arg3[%add3A_14] : memref<16384xi32, #tpu.memory_space<hbm>> -> memref<128xi32, #tpu.memory_space<hbm>>
        tpu.wait_dma2 semaphore(%run_scoped3A : memref<!tpu.dma_semaphore, #tpu.memory_space<semaphore_mem>>) src(%dma_wait3A_16 : memref<128xi32, #tpu.memory_space<hbm>>) dst(%arg5 : memref<128xi32, #tpu.memory_space<vmem>>)
        tpu.yield
      }) : () -> ()
      "tpu.region"() ({
        %run_scoped3A = tpu.sem_alloc : memref<!tpu.dma_semaphore, #tpu.memory_space<semaphore_mem>>
        %dma_start3A = arith.constant 0 : i32
        %dma_start3A_15 = arith.constant 0 : i32
        %dma_start3A_16 = tpu.memref_slice %arg4[%dma_start3A, %dma_start3A_15] : memref<20480x512xi32, #tpu.memory_space<hbm>> -> memref<20480x512xi32, #tpu.memory_space<hbm>>
        tpu.enqueue_indirect_dma source(%arg6 : memref<128x512xi32, #tpu.memory_space<vmem>>) target(%dma_start3A_16 : memref<20480x512xi32, #tpu.memory_space<hbm>>) offsets(%arg5 : memref<128xi32, #tpu.memory_space<vmem>>) semaphore(%run_scoped3A : memref<!tpu.dma_semaphore, #tpu.memory_space<semaphore_mem>>)
        %dma_wait3A = arith.constant 0 : i32
        %dma_wait3A_17 = arith.constant 0 : i32
        %dma_wait3A_18 = tpu.memref_slice %arg4[%dma_wait3A, %dma_wait3A_17] : memref<20480x512xi32, #tpu.memory_space<hbm>> -> memref<20480x512xi32, #tpu.memory_space<hbm>>
        tpu.wait_indirect_dma semaphore(%run_scoped3A : memref<!tpu.dma_semaphore, #tpu.memory_space<semaphore_mem>>) src(%arg6 : memref<128x512xi32, #tpu.memory_space<vmem>>) dst(%dma_wait3A_18 : memref<20480x512xi32, #tpu.memory_space<hbm>>)
        tpu.yield
      }) : () -> ()
    }
    %scan3A_6 = arith.constant 2 : i32
    return
  }
}

#map = affine_map<(d0, d1) -> (0, 0)>
#map1 = affine_map<(d0, d1) -> (0)>
module attributes {stable_mosaic.version = 14 : i64} {
  func.func @combine(%arg0: i32, %arg1: i32, %arg2: memref<20480x512xi32, #tpu.memory_space<hbm>>, %arg3: memref<16384xi32, #tpu.memory_space<hbm>>, %arg4: memref<16384x512xi32, #tpu.memory_space<hbm>>, %arg5: memref<512xi32, #tpu.memory_space<vmem>>, %arg6: memref<64x512xi32, #tpu.memory_space<vmem>>, %arg7: memref<64x512xi32, #tpu.memory_space<vmem>>, %arg8: memref<!tpu.dma_semaphore, #tpu.memory_space<semaphore_mem>>, %arg9: memref<!tpu.dma_semaphore, #tpu.memory_space<semaphore_mem>>) attributes {dimension_semantics = [#tpu.dimension_semantics<core_parallel>, #tpu.dimension_semantics<subcore_parallel>], iteration_bounds = array<i64: 2, 16>, scalar_prefetch = 0 : i64, scratch_operands = 5 : i64, tpu.core_type = #tpu.core_type<sc_vector_subcore>, window_params = [{transform_indices = #map}, {transform_indices = #map1}, {transform_indices = #map}]} {
    %mul3A = arith.constant 2 : i32
    %mul3A_0 = arith.muli %arg1, %mul3A : i32
    %add3A = arith.addi %mul3A_0, %arg0 : i32
    %mul3A_1 = arith.constant 512 : i32
    %mul3A_2 = arith.muli %add3A, %mul3A_1 : i32
    "tpu.region"() ({
      %run_scoped3A = tpu.sem_alloc : memref<!tpu.dma_semaphore, #tpu.memory_space<semaphore_mem>>
      %dma_start3A_97 = tpu.memref_slice %arg3[%mul3A_2] : memref<16384xi32, #tpu.memory_space<hbm>> -> memref<512xi32, #tpu.memory_space<hbm>>
      %dma_start3A_98 = tpu.memref_slice %arg3[%mul3A_2] : memref<16384xi32, #tpu.memory_space<hbm>> -> memref<512xi32, #tpu.memory_space<hbm>>
      tpu.enqueue_dma source(%dma_start3A_98 : memref<512xi32, #tpu.memory_space<hbm>>) target(%arg5 : memref<512xi32, #tpu.memory_space<vmem>>) target_semaphore(%run_scoped3A : memref<!tpu.dma_semaphore, #tpu.memory_space<semaphore_mem>>)
      %dma_wait3A_99 = tpu.memref_slice %arg3[%mul3A_2] : memref<16384xi32, #tpu.memory_space<hbm>> -> memref<512xi32, #tpu.memory_space<hbm>>
      %dma_wait3A_100 = tpu.memref_slice %arg3[%mul3A_2] : memref<16384xi32, #tpu.memory_space<hbm>> -> memref<512xi32, #tpu.memory_space<hbm>>
      tpu.wait_dma2 semaphore(%run_scoped3A : memref<!tpu.dma_semaphore, #tpu.memory_space<semaphore_mem>>) src(%dma_wait3A_100 : memref<512xi32, #tpu.memory_space<hbm>>) dst(%arg5 : memref<512xi32, #tpu.memory_space<vmem>>)
      tpu.yield
    }) : () -> ()
    %dma_start3A = arith.constant 0 : i32
    %dma_start3A_3 = tpu.memref_slice %arg5[%dma_start3A] : memref<512xi32, #tpu.memory_space<vmem>> -> memref<64xi32, #tpu.memory_space<vmem>>
    %dma_start3A_4 = arith.constant 0 : i32
    %dma_start3A_5 = arith.constant 0 : i32
    %dma_start3A_6 = tpu.memref_slice %arg2[%dma_start3A_4, %dma_start3A_5] : memref<20480x512xi32, #tpu.memory_space<hbm>> -> memref<20480x512xi32, #tpu.memory_space<hbm>>
    tpu.enqueue_indirect_dma source(%dma_start3A_6 : memref<20480x512xi32, #tpu.memory_space<hbm>>) target(%arg6 : memref<64x512xi32, #tpu.memory_space<vmem>>) offsets(%dma_start3A_3 : memref<64xi32, #tpu.memory_space<vmem>>) semaphore(%arg8 : memref<!tpu.dma_semaphore, #tpu.memory_space<semaphore_mem>>)
    %dma_start3A_7 = arith.constant 64 : i32
    %dma_start3A_8 = tpu.memref_slice %arg5[%dma_start3A_7] : memref<512xi32, #tpu.memory_space<vmem>> -> memref<64xi32, #tpu.memory_space<vmem>>
    %dma_start3A_9 = arith.constant 0 : i32
    %dma_start3A_10 = arith.constant 0 : i32
    %dma_start3A_11 = tpu.memref_slice %arg2[%dma_start3A_9, %dma_start3A_10] : memref<20480x512xi32, #tpu.memory_space<hbm>> -> memref<20480x512xi32, #tpu.memory_space<hbm>>
    tpu.enqueue_indirect_dma source(%dma_start3A_11 : memref<20480x512xi32, #tpu.memory_space<hbm>>) target(%arg7 : memref<64x512xi32, #tpu.memory_space<vmem>>) offsets(%dma_start3A_8 : memref<64xi32, #tpu.memory_space<vmem>>) semaphore(%arg9 : memref<!tpu.dma_semaphore, #tpu.memory_space<semaphore_mem>>)
    %dma_wait3A = arith.constant 0 : i32
    %dma_wait3A_12 = tpu.memref_slice %arg5[%dma_wait3A] : memref<512xi32, #tpu.memory_space<vmem>> -> memref<64xi32, #tpu.memory_space<vmem>>
    %dma_wait3A_13 = arith.constant 0 : i32
    %dma_wait3A_14 = arith.constant 0 : i32
    %dma_wait3A_15 = tpu.memref_slice %arg2[%dma_wait3A_13, %dma_wait3A_14] : memref<20480x512xi32, #tpu.memory_space<hbm>> -> memref<20480x512xi32, #tpu.memory_space<hbm>>
    tpu.wait_indirect_dma semaphore(%arg8 : memref<!tpu.dma_semaphore, #tpu.memory_space<semaphore_mem>>) src(%dma_wait3A_15 : memref<20480x512xi32, #tpu.memory_space<hbm>>) dst(%arg6 : memref<64x512xi32, #tpu.memory_space<vmem>>)
    %add3A_16 = arith.constant 0 : i32
    %add3A_17 = arith.addi %mul3A_2, %add3A_16 : i32
    "tpu.region"() ({
      %run_scoped3A = tpu.sem_alloc : memref<!tpu.dma_semaphore, #tpu.memory_space<semaphore_mem>>
      %dma_start3A_97 = arith.constant 0 : i32
      %dma_start3A_98 = tpu.memref_slice %arg4[%add3A_17, %dma_start3A_97] : memref<16384x512xi32, #tpu.memory_space<hbm>> -> memref<64x512xi32, #tpu.memory_space<hbm>>
      %dma_start3A_99 = arith.constant 0 : i32
      %dma_start3A_100 = tpu.memref_slice %arg4[%add3A_17, %dma_start3A_99] : memref<16384x512xi32, #tpu.memory_space<hbm>> -> memref<64x512xi32, #tpu.memory_space<hbm>>
      tpu.enqueue_dma source(%arg6 : memref<64x512xi32, #tpu.memory_space<vmem>>) target(%dma_start3A_100 : memref<64x512xi32, #tpu.memory_space<hbm>>) target_semaphore(%run_scoped3A : memref<!tpu.dma_semaphore, #tpu.memory_space<semaphore_mem>>)
      %dma_wait3A_101 = arith.constant 0 : i32
      %dma_wait3A_102 = tpu.memref_slice %arg4[%add3A_17, %dma_wait3A_101] : memref<16384x512xi32, #tpu.memory_space<hbm>> -> memref<64x512xi32, #tpu.memory_space<hbm>>
      %dma_wait3A_103 = arith.constant 0 : i32
      %dma_wait3A_104 = tpu.memref_slice %arg4[%add3A_17, %dma_wait3A_103] : memref<16384x512xi32, #tpu.memory_space<hbm>> -> memref<64x512xi32, #tpu.memory_space<hbm>>
      tpu.wait_dma2 semaphore(%run_scoped3A : memref<!tpu.dma_semaphore, #tpu.memory_space<semaphore_mem>>) src(%arg6 : memref<64x512xi32, #tpu.memory_space<vmem>>) dst(%dma_wait3A_104 : memref<64x512xi32, #tpu.memory_space<hbm>>)
      tpu.yield
    }) : () -> ()
    %dma_start3A_18 = arith.constant 128 : i32
    %dma_start3A_19 = tpu.memref_slice %arg5[%dma_start3A_18] : memref<512xi32, #tpu.memory_space<vmem>> -> memref<64xi32, #tpu.memory_space<vmem>>
    %dma_start3A_20 = arith.constant 0 : i32
    %dma_start3A_21 = arith.constant 0 : i32
    %dma_start3A_22 = tpu.memref_slice %arg2[%dma_start3A_20, %dma_start3A_21] : memref<20480x512xi32, #tpu.memory_space<hbm>> -> memref<20480x512xi32, #tpu.memory_space<hbm>>
    tpu.enqueue_indirect_dma source(%dma_start3A_22 : memref<20480x512xi32, #tpu.memory_space<hbm>>) target(%arg6 : memref<64x512xi32, #tpu.memory_space<vmem>>) offsets(%dma_start3A_19 : memref<64xi32, #tpu.memory_space<vmem>>) semaphore(%arg8 : memref<!tpu.dma_semaphore, #tpu.memory_space<semaphore_mem>>)
    %dma_wait3A_23 = arith.constant 64 : i32
    %dma_wait3A_24 = tpu.memref_slice %arg5[%dma_wait3A_23] : memref<512xi32, #tpu.memory_space<vmem>> -> memref<64xi32, #tpu.memory_space<vmem>>
    %dma_wait3A_25 = arith.constant 0 : i32
    %dma_wait3A_26 = arith.constant 0 : i32
    %dma_wait3A_27 = tpu.memref_slice %arg2[%dma_wait3A_25, %dma_wait3A_26] : memref<20480x512xi32, #tpu.memory_space<hbm>> -> memref<20480x512xi32, #tpu.memory_space<hbm>>
    tpu.wait_indirect_dma semaphore(%arg9 : memref<!tpu.dma_semaphore, #tpu.memory_space<semaphore_mem>>) src(%dma_wait3A_27 : memref<20480x512xi32, #tpu.memory_space<hbm>>) dst(%arg7 : memref<64x512xi32, #tpu.memory_space<vmem>>)
    %add3A_28 = arith.constant 64 : i32
    %add3A_29 = arith.addi %mul3A_2, %add3A_28 : i32
    "tpu.region"() ({
      %run_scoped3A = tpu.sem_alloc : memref<!tpu.dma_semaphore, #tpu.memory_space<semaphore_mem>>
      %dma_start3A_97 = arith.constant 0 : i32
      %dma_start3A_98 = tpu.memref_slice %arg4[%add3A_29, %dma_start3A_97] : memref<16384x512xi32, #tpu.memory_space<hbm>> -> memref<64x512xi32, #tpu.memory_space<hbm>>
      %dma_start3A_99 = arith.constant 0 : i32
      %dma_start3A_100 = tpu.memref_slice %arg4[%add3A_29, %dma_start3A_99] : memref<16384x512xi32, #tpu.memory_space<hbm>> -> memref<64x512xi32, #tpu.memory_space<hbm>>
      tpu.enqueue_dma source(%arg7 : memref<64x512xi32, #tpu.memory_space<vmem>>) target(%dma_start3A_100 : memref<64x512xi32, #tpu.memory_space<hbm>>) target_semaphore(%run_scoped3A : memref<!tpu.dma_semaphore, #tpu.memory_space<semaphore_mem>>)
      %dma_wait3A_101 = arith.constant 0 : i32
      %dma_wait3A_102 = tpu.memref_slice %arg4[%add3A_29, %dma_wait3A_101] : memref<16384x512xi32, #tpu.memory_space<hbm>> -> memref<64x512xi32, #tpu.memory_space<hbm>>
      %dma_wait3A_103 = arith.constant 0 : i32
      %dma_wait3A_104 = tpu.memref_slice %arg4[%add3A_29, %dma_wait3A_103] : memref<16384x512xi32, #tpu.memory_space<hbm>> -> memref<64x512xi32, #tpu.memory_space<hbm>>
      tpu.wait_dma2 semaphore(%run_scoped3A : memref<!tpu.dma_semaphore, #tpu.memory_space<semaphore_mem>>) src(%arg7 : memref<64x512xi32, #tpu.memory_space<vmem>>) dst(%dma_wait3A_104 : memref<64x512xi32, #tpu.memory_space<hbm>>)
      tpu.yield
    }) : () -> ()
    %dma_start3A_30 = arith.constant 192 : i32
    %dma_start3A_31 = tpu.memref_slice %arg5[%dma_start3A_30] : memref<512xi32, #tpu.memory_space<vmem>> -> memref<64xi32, #tpu.memory_space<vmem>>
    %dma_start3A_32 = arith.constant 0 : i32
    %dma_start3A_33 = arith.constant 0 : i32
    %dma_start3A_34 = tpu.memref_slice %arg2[%dma_start3A_32, %dma_start3A_33] : memref<20480x512xi32, #tpu.memory_space<hbm>> -> memref<20480x512xi32, #tpu.memory_space<hbm>>
    tpu.enqueue_indirect_dma source(%dma_start3A_34 : memref<20480x512xi32, #tpu.memory_space<hbm>>) target(%arg7 : memref<64x512xi32, #tpu.memory_space<vmem>>) offsets(%dma_start3A_31 : memref<64xi32, #tpu.memory_space<vmem>>) semaphore(%arg9 : memref<!tpu.dma_semaphore, #tpu.memory_space<semaphore_mem>>)
    %dma_wait3A_35 = arith.constant 128 : i32
    %dma_wait3A_36 = tpu.memref_slice %arg5[%dma_wait3A_35] : memref<512xi32, #tpu.memory_space<vmem>> -> memref<64xi32, #tpu.memory_space<vmem>>
    %dma_wait3A_37 = arith.constant 0 : i32
    %dma_wait3A_38 = arith.constant 0 : i32
    %dma_wait3A_39 = tpu.memref_slice %arg2[%dma_wait3A_37, %dma_wait3A_38] : memref<20480x512xi32, #tpu.memory_space<hbm>> -> memref<20480x512xi32, #tpu.memory_space<hbm>>
    tpu.wait_indirect_dma semaphore(%arg8 : memref<!tpu.dma_semaphore, #tpu.memory_space<semaphore_mem>>) src(%dma_wait3A_39 : memref<20480x512xi32, #tpu.memory_space<hbm>>) dst(%arg6 : memref<64x512xi32, #tpu.memory_space<vmem>>)
    %add3A_40 = arith.constant 128 : i32
    %add3A_41 = arith.addi %mul3A_2, %add3A_40 : i32
    "tpu.region"() ({
      %run_scoped3A = tpu.sem_alloc : memref<!tpu.dma_semaphore, #tpu.memory_space<semaphore_mem>>
      %dma_start3A_97 = arith.constant 0 : i32
      %dma_start3A_98 = tpu.memref_slice %arg4[%add3A_41, %dma_start3A_97] : memref<16384x512xi32, #tpu.memory_space<hbm>> -> memref<64x512xi32, #tpu.memory_space<hbm>>
      %dma_start3A_99 = arith.constant 0 : i32
      %dma_start3A_100 = tpu.memref_slice %arg4[%add3A_41, %dma_start3A_99] : memref<16384x512xi32, #tpu.memory_space<hbm>> -> memref<64x512xi32, #tpu.memory_space<hbm>>
      tpu.enqueue_dma source(%arg6 : memref<64x512xi32, #tpu.memory_space<vmem>>) target(%dma_start3A_100 : memref<64x512xi32, #tpu.memory_space<hbm>>) target_semaphore(%run_scoped3A : memref<!tpu.dma_semaphore, #tpu.memory_space<semaphore_mem>>)
      %dma_wait3A_101 = arith.constant 0 : i32
      %dma_wait3A_102 = tpu.memref_slice %arg4[%add3A_41, %dma_wait3A_101] : memref<16384x512xi32, #tpu.memory_space<hbm>> -> memref<64x512xi32, #tpu.memory_space<hbm>>
      %dma_wait3A_103 = arith.constant 0 : i32
      %dma_wait3A_104 = tpu.memref_slice %arg4[%add3A_41, %dma_wait3A_103] : memref<16384x512xi32, #tpu.memory_space<hbm>> -> memref<64x512xi32, #tpu.memory_space<hbm>>
      tpu.wait_dma2 semaphore(%run_scoped3A : memref<!tpu.dma_semaphore, #tpu.memory_space<semaphore_mem>>) src(%arg6 : memref<64x512xi32, #tpu.memory_space<vmem>>) dst(%dma_wait3A_104 : memref<64x512xi32, #tpu.memory_space<hbm>>)
      tpu.yield
    }) : () -> ()
    %dma_start3A_42 = arith.constant 256 : i32
    %dma_start3A_43 = tpu.memref_slice %arg5[%dma_start3A_42] : memref<512xi32, #tpu.memory_space<vmem>> -> memref<64xi32, #tpu.memory_space<vmem>>
    %dma_start3A_44 = arith.constant 0 : i32
    %dma_start3A_45 = arith.constant 0 : i32
    %dma_start3A_46 = tpu.memref_slice %arg2[%dma_start3A_44, %dma_start3A_45] : memref<20480x512xi32, #tpu.memory_space<hbm>> -> memref<20480x512xi32, #tpu.memory_space<hbm>>
    tpu.enqueue_indirect_dma source(%dma_start3A_46 : memref<20480x512xi32, #tpu.memory_space<hbm>>) target(%arg6 : memref<64x512xi32, #tpu.memory_space<vmem>>) offsets(%dma_start3A_43 : memref<64xi32, #tpu.memory_space<vmem>>) semaphore(%arg8 : memref<!tpu.dma_semaphore, #tpu.memory_space<semaphore_mem>>)
    %dma_wait3A_47 = arith.constant 192 : i32
    %dma_wait3A_48 = tpu.memref_slice %arg5[%dma_wait3A_47] : memref<512xi32, #tpu.memory_space<vmem>> -> memref<64xi32, #tpu.memory_space<vmem>>
    %dma_wait3A_49 = arith.constant 0 : i32
    %dma_wait3A_50 = arith.constant 0 : i32
    %dma_wait3A_51 = tpu.memref_slice %arg2[%dma_wait3A_49, %dma_wait3A_50] : memref<20480x512xi32, #tpu.memory_space<hbm>> -> memref<20480x512xi32, #tpu.memory_space<hbm>>
    tpu.wait_indirect_dma semaphore(%arg9 : memref<!tpu.dma_semaphore, #tpu.memory_space<semaphore_mem>>) src(%dma_wait3A_51 : memref<20480x512xi32, #tpu.memory_space<hbm>>) dst(%arg7 : memref<64x512xi32, #tpu.memory_space<vmem>>)
    %add3A_52 = arith.constant 192 : i32
    %add3A_53 = arith.addi %mul3A_2, %add3A_52 : i32
    "tpu.region"() ({
      %run_scoped3A = tpu.sem_alloc : memref<!tpu.dma_semaphore, #tpu.memory_space<semaphore_mem>>
      %dma_start3A_97 = arith.constant 0 : i32
      %dma_start3A_98 = tpu.memref_slice %arg4[%add3A_53, %dma_start3A_97] : memref<16384x512xi32, #tpu.memory_space<hbm>> -> memref<64x512xi32, #tpu.memory_space<hbm>>
      %dma_start3A_99 = arith.constant 0 : i32
      %dma_start3A_100 = tpu.memref_slice %arg4[%add3A_53, %dma_start3A_99] : memref<16384x512xi32, #tpu.memory_space<hbm>> -> memref<64x512xi32, #tpu.memory_space<hbm>>
      tpu.enqueue_dma source(%arg7 : memref<64x512xi32, #tpu.memory_space<vmem>>) target(%dma_start3A_100 : memref<64x512xi32, #tpu.memory_space<hbm>>) target_semaphore(%run_scoped3A : memref<!tpu.dma_semaphore, #tpu.memory_space<semaphore_mem>>)
      %dma_wait3A_101 = arith.constant 0 : i32
      %dma_wait3A_102 = tpu.memref_slice %arg4[%add3A_53, %dma_wait3A_101] : memref<16384x512xi32, #tpu.memory_space<hbm>> -> memref<64x512xi32, #tpu.memory_space<hbm>>
      %dma_wait3A_103 = arith.constant 0 : i32
      %dma_wait3A_104 = tpu.memref_slice %arg4[%add3A_53, %dma_wait3A_103] : memref<16384x512xi32, #tpu.memory_space<hbm>> -> memref<64x512xi32, #tpu.memory_space<hbm>>
      tpu.wait_dma2 semaphore(%run_scoped3A : memref<!tpu.dma_semaphore, #tpu.memory_space<semaphore_mem>>) src(%arg7 : memref<64x512xi32, #tpu.memory_space<vmem>>) dst(%dma_wait3A_104 : memref<64x512xi32, #tpu.memory_space<hbm>>)
      tpu.yield
    }) : () -> ()
    %dma_start3A_54 = arith.constant 320 : i32
    %dma_start3A_55 = tpu.memref_slice %arg5[%dma_start3A_54] : memref<512xi32, #tpu.memory_space<vmem>> -> memref<64xi32, #tpu.memory_space<vmem>>
    %dma_start3A_56 = arith.constant 0 : i32
    %dma_start3A_57 = arith.constant 0 : i32
    %dma_start3A_58 = tpu.memref_slice %arg2[%dma_start3A_56, %dma_start3A_57] : memref<20480x512xi32, #tpu.memory_space<hbm>> -> memref<20480x512xi32, #tpu.memory_space<hbm>>
    tpu.enqueue_indirect_dma source(%dma_start3A_58 : memref<20480x512xi32, #tpu.memory_space<hbm>>) target(%arg7 : memref<64x512xi32, #tpu.memory_space<vmem>>) offsets(%dma_start3A_55 : memref<64xi32, #tpu.memory_space<vmem>>) semaphore(%arg9 : memref<!tpu.dma_semaphore, #tpu.memory_space<semaphore_mem>>)
    %dma_wait3A_59 = arith.constant 256 : i32
    %dma_wait3A_60 = tpu.memref_slice %arg5[%dma_wait3A_59] : memref<512xi32, #tpu.memory_space<vmem>> -> memref<64xi32, #tpu.memory_space<vmem>>
    %dma_wait3A_61 = arith.constant 0 : i32
    %dma_wait3A_62 = arith.constant 0 : i32
    %dma_wait3A_63 = tpu.memref_slice %arg2[%dma_wait3A_61, %dma_wait3A_62] : memref<20480x512xi32, #tpu.memory_space<hbm>> -> memref<20480x512xi32, #tpu.memory_space<hbm>>
    tpu.wait_indirect_dma semaphore(%arg8 : memref<!tpu.dma_semaphore, #tpu.memory_space<semaphore_mem>>) src(%dma_wait3A_63 : memref<20480x512xi32, #tpu.memory_space<hbm>>) dst(%arg6 : memref<64x512xi32, #tpu.memory_space<vmem>>)
    %add3A_64 = arith.constant 256 : i32
    %add3A_65 = arith.addi %mul3A_2, %add3A_64 : i32
    "tpu.region"() ({
      %run_scoped3A = tpu.sem_alloc : memref<!tpu.dma_semaphore, #tpu.memory_space<semaphore_mem>>
      %dma_start3A_97 = arith.constant 0 : i32
      %dma_start3A_98 = tpu.memref_slice %arg4[%add3A_65, %dma_start3A_97] : memref<16384x512xi32, #tpu.memory_space<hbm>> -> memref<64x512xi32, #tpu.memory_space<hbm>>
      %dma_start3A_99 = arith.constant 0 : i32
      %dma_start3A_100 = tpu.memref_slice %arg4[%add3A_65, %dma_start3A_99] : memref<16384x512xi32, #tpu.memory_space<hbm>> -> memref<64x512xi32, #tpu.memory_space<hbm>>
      tpu.enqueue_dma source(%arg6 : memref<64x512xi32, #tpu.memory_space<vmem>>) target(%dma_start3A_100 : memref<64x512xi32, #tpu.memory_space<hbm>>) target_semaphore(%run_scoped3A : memref<!tpu.dma_semaphore, #tpu.memory_space<semaphore_mem>>)
      %dma_wait3A_101 = arith.constant 0 : i32
      %dma_wait3A_102 = tpu.memref_slice %arg4[%add3A_65, %dma_wait3A_101] : memref<16384x512xi32, #tpu.memory_space<hbm>> -> memref<64x512xi32, #tpu.memory_space<hbm>>
      %dma_wait3A_103 = arith.constant 0 : i32
      %dma_wait3A_104 = tpu.memref_slice %arg4[%add3A_65, %dma_wait3A_103] : memref<16384x512xi32, #tpu.memory_space<hbm>> -> memref<64x512xi32, #tpu.memory_space<hbm>>
      tpu.wait_dma2 semaphore(%run_scoped3A : memref<!tpu.dma_semaphore, #tpu.memory_space<semaphore_mem>>) src(%arg6 : memref<64x512xi32, #tpu.memory_space<vmem>>) dst(%dma_wait3A_104 : memref<64x512xi32, #tpu.memory_space<hbm>>)
      tpu.yield
    }) : () -> ()
    %dma_start3A_66 = arith.constant 384 : i32
    %dma_start3A_67 = tpu.memref_slice %arg5[%dma_start3A_66] : memref<512xi32, #tpu.memory_space<vmem>> -> memref<64xi32, #tpu.memory_space<vmem>>
    %dma_start3A_68 = arith.constant 0 : i32
    %dma_start3A_69 = arith.constant 0 : i32
    %dma_start3A_70 = tpu.memref_slice %arg2[%dma_start3A_68, %dma_start3A_69] : memref<20480x512xi32, #tpu.memory_space<hbm>> -> memref<20480x512xi32, #tpu.memory_space<hbm>>
    tpu.enqueue_indirect_dma source(%dma_start3A_70 : memref<20480x512xi32, #tpu.memory_space<hbm>>) target(%arg6 : memref<64x512xi32, #tpu.memory_space<vmem>>) offsets(%dma_start3A_67 : memref<64xi32, #tpu.memory_space<vmem>>) semaphore(%arg8 : memref<!tpu.dma_semaphore, #tpu.memory_space<semaphore_mem>>)
    %dma_wait3A_71 = arith.constant 320 : i32
    %dma_wait3A_72 = tpu.memref_slice %arg5[%dma_wait3A_71] : memref<512xi32, #tpu.memory_space<vmem>> -> memref<64xi32, #tpu.memory_space<vmem>>
    %dma_wait3A_73 = arith.constant 0 : i32
    %dma_wait3A_74 = arith.constant 0 : i32
    %dma_wait3A_75 = tpu.memref_slice %arg2[%dma_wait3A_73, %dma_wait3A_74] : memref<20480x512xi32, #tpu.memory_space<hbm>> -> memref<20480x512xi32, #tpu.memory_space<hbm>>
    tpu.wait_indirect_dma semaphore(%arg9 : memref<!tpu.dma_semaphore, #tpu.memory_space<semaphore_mem>>) src(%dma_wait3A_75 : memref<20480x512xi32, #tpu.memory_space<hbm>>) dst(%arg7 : memref<64x512xi32, #tpu.memory_space<vmem>>)
    %add3A_76 = arith.constant 320 : i32
    %add3A_77 = arith.addi %mul3A_2, %add3A_76 : i32
    "tpu.region"() ({
      %run_scoped3A = tpu.sem_alloc : memref<!tpu.dma_semaphore, #tpu.memory_space<semaphore_mem>>
      %dma_start3A_97 = arith.constant 0 : i32
      %dma_start3A_98 = tpu.memref_slice %arg4[%add3A_77, %dma_start3A_97] : memref<16384x512xi32, #tpu.memory_space<hbm>> -> memref<64x512xi32, #tpu.memory_space<hbm>>
      %dma_start3A_99 = arith.constant 0 : i32
      %dma_start3A_100 = tpu.memref_slice %arg4[%add3A_77, %dma_start3A_99] : memref<16384x512xi32, #tpu.memory_space<hbm>> -> memref<64x512xi32, #tpu.memory_space<hbm>>
      tpu.enqueue_dma source(%arg7 : memref<64x512xi32, #tpu.memory_space<vmem>>) target(%dma_start3A_100 : memref<64x512xi32, #tpu.memory_space<hbm>>) target_semaphore(%run_scoped3A : memref<!tpu.dma_semaphore, #tpu.memory_space<semaphore_mem>>)
      %dma_wait3A_101 = arith.constant 0 : i32
      %dma_wait3A_102 = tpu.memref_slice %arg4[%add3A_77, %dma_wait3A_101] : memref<16384x512xi32, #tpu.memory_space<hbm>> -> memref<64x512xi32, #tpu.memory_space<hbm>>
      %dma_wait3A_103 = arith.constant 0 : i32
      %dma_wait3A_104 = tpu.memref_slice %arg4[%add3A_77, %dma_wait3A_103] : memref<16384x512xi32, #tpu.memory_space<hbm>> -> memref<64x512xi32, #tpu.memory_space<hbm>>
      tpu.wait_dma2 semaphore(%run_scoped3A : memref<!tpu.dma_semaphore, #tpu.memory_space<semaphore_mem>>) src(%arg7 : memref<64x512xi32, #tpu.memory_space<vmem>>) dst(%dma_wait3A_104 : memref<64x512xi32, #tpu.memory_space<hbm>>)
      tpu.yield
    }) : () -> ()
    %dma_start3A_78 = arith.constant 448 : i32
    %dma_start3A_79 = tpu.memref_slice %arg5[%dma_start3A_78] : memref<512xi32, #tpu.memory_space<vmem>> -> memref<64xi32, #tpu.memory_space<vmem>>
    %dma_start3A_80 = arith.constant 0 : i32
    %dma_start3A_81 = arith.constant 0 : i32
    %dma_start3A_82 = tpu.memref_slice %arg2[%dma_start3A_80, %dma_start3A_81] : memref<20480x512xi32, #tpu.memory_space<hbm>> -> memref<20480x512xi32, #tpu.memory_space<hbm>>
    tpu.enqueue_indirect_dma source(%dma_start3A_82 : memref<20480x512xi32, #tpu.memory_space<hbm>>) target(%arg7 : memref<64x512xi32, #tpu.memory_space<vmem>>) offsets(%dma_start3A_79 : memref<64xi32, #tpu.memory_space<vmem>>) semaphore(%arg9 : memref<!tpu.dma_semaphore, #tpu.memory_space<semaphore_mem>>)
    %dma_wait3A_83 = arith.constant 384 : i32
    %dma_wait3A_84 = tpu.memref_slice %arg5[%dma_wait3A_83] : memref<512xi32, #tpu.memory_space<vmem>> -> memref<64xi32, #tpu.memory_space<vmem>>
    %dma_wait3A_85 = arith.constant 0 : i32
    %dma_wait3A_86 = arith.constant 0 : i32
    %dma_wait3A_87 = tpu.memref_slice %arg2[%dma_wait3A_85, %dma_wait3A_86] : memref<20480x512xi32, #tpu.memory_space<hbm>> -> memref<20480x512xi32, #tpu.memory_space<hbm>>
    tpu.wait_indirect_dma semaphore(%arg8 : memref<!tpu.dma_semaphore, #tpu.memory_space<semaphore_mem>>) src(%dma_wait3A_87 : memref<20480x512xi32, #tpu.memory_space<hbm>>) dst(%arg6 : memref<64x512xi32, #tpu.memory_space<vmem>>)
    %add3A_88 = arith.constant 384 : i32
    %add3A_89 = arith.addi %mul3A_2, %add3A_88 : i32
    "tpu.region"() ({
      %run_scoped3A = tpu.sem_alloc : memref<!tpu.dma_semaphore, #tpu.memory_space<semaphore_mem>>
      %dma_start3A_97 = arith.constant 0 : i32
      %dma_start3A_98 = tpu.memref_slice %arg4[%add3A_89, %dma_start3A_97] : memref<16384x512xi32, #tpu.memory_space<hbm>> -> memref<64x512xi32, #tpu.memory_space<hbm>>
      %dma_start3A_99 = arith.constant 0 : i32
      %dma_start3A_100 = tpu.memref_slice %arg4[%add3A_89, %dma_start3A_99] : memref<16384x512xi32, #tpu.memory_space<hbm>> -> memref<64x512xi32, #tpu.memory_space<hbm>>
      tpu.enqueue_dma source(%arg6 : memref<64x512xi32, #tpu.memory_space<vmem>>) target(%dma_start3A_100 : memref<64x512xi32, #tpu.memory_space<hbm>>) target_semaphore(%run_scoped3A : memref<!tpu.dma_semaphore, #tpu.memory_space<semaphore_mem>>)
      %dma_wait3A_101 = arith.constant 0 : i32
      %dma_wait3A_102 = tpu.memref_slice %arg4[%add3A_89, %dma_wait3A_101] : memref<16384x512xi32, #tpu.memory_space<hbm>> -> memref<64x512xi32, #tpu.memory_space<hbm>>
      %dma_wait3A_103 = arith.constant 0 : i32
      %dma_wait3A_104 = tpu.memref_slice %arg4[%add3A_89, %dma_wait3A_103] : memref<16384x512xi32, #tpu.memory_space<hbm>> -> memref<64x512xi32, #tpu.memory_space<hbm>>
      tpu.wait_dma2 semaphore(%run_scoped3A : memref<!tpu.dma_semaphore, #tpu.memory_space<semaphore_mem>>) src(%arg6 : memref<64x512xi32, #tpu.memory_space<vmem>>) dst(%dma_wait3A_104 : memref<64x512xi32, #tpu.memory_space<hbm>>)
      tpu.yield
    }) : () -> ()
    %dma_wait3A_90 = arith.constant 448 : i32
    %dma_wait3A_91 = tpu.memref_slice %arg5[%dma_wait3A_90] : memref<512xi32, #tpu.memory_space<vmem>> -> memref<64xi32, #tpu.memory_space<vmem>>
    %dma_wait3A_92 = arith.constant 0 : i32
    %dma_wait3A_93 = arith.constant 0 : i32
    %dma_wait3A_94 = tpu.memref_slice %arg2[%dma_wait3A_92, %dma_wait3A_93] : memref<20480x512xi32, #tpu.memory_space<hbm>> -> memref<20480x512xi32, #tpu.memory_space<hbm>>
    tpu.wait_indirect_dma semaphore(%arg9 : memref<!tpu.dma_semaphore, #tpu.memory_space<semaphore_mem>>) src(%dma_wait3A_94 : memref<20480x512xi32, #tpu.memory_space<hbm>>) dst(%arg7 : memref<64x512xi32, #tpu.memory_space<vmem>>)
    %add3A_95 = arith.constant 448 : i32
    %add3A_96 = arith.addi %mul3A_2, %add3A_95 : i32
    "tpu.region"() ({
      %run_scoped3A = tpu.sem_alloc : memref<!tpu.dma_semaphore, #tpu.memory_space<semaphore_mem>>
      %dma_start3A_97 = arith.constant 0 : i32
      %dma_start3A_98 = tpu.memref_slice %arg4[%add3A_96, %dma_start3A_97] : memref<16384x512xi32, #tpu.memory_space<hbm>> -> memref<64x512xi32, #tpu.memory_space<hbm>>
      %dma_start3A_99 = arith.constant 0 : i32
      %dma_start3A_100 = tpu.memref_slice %arg4[%add3A_96, %dma_start3A_99] : memref<16384x512xi32, #tpu.memory_space<hbm>> -> memref<64x512xi32, #tpu.memory_space<hbm>>
      tpu.enqueue_dma source(%arg7 : memref<64x512xi32, #tpu.memory_space<vmem>>) target(%dma_start3A_100 : memref<64x512xi32, #tpu.memory_space<hbm>>) target_semaphore(%run_scoped3A : memref<!tpu.dma_semaphore, #tpu.memory_space<semaphore_mem>>)
      %dma_wait3A_101 = arith.constant 0 : i32
      %dma_wait3A_102 = tpu.memref_slice %arg4[%add3A_96, %dma_wait3A_101] : memref<16384x512xi32, #tpu.memory_space<hbm>> -> memref<64x512xi32, #tpu.memory_space<hbm>>
      %dma_wait3A_103 = arith.constant 0 : i32
      %dma_wait3A_104 = tpu.memref_slice %arg4[%add3A_96, %dma_wait3A_103] : memref<16384x512xi32, #tpu.memory_space<hbm>> -> memref<64x512xi32, #tpu.memory_space<hbm>>
      tpu.wait_dma2 semaphore(%run_scoped3A : memref<!tpu.dma_semaphore, #tpu.memory_space<semaphore_mem>>) src(%arg7 : memref<64x512xi32, #tpu.memory_space<vmem>>) dst(%dma_wait3A_104 : memref<64x512xi32, #tpu.memory_space<hbm>>)
      tpu.yield
    }) : () -> ()
    return
  }
}

module attributes {stable_mosaic.version = 14 : i64} {
  func.func @_gate_kernel(%arg0: i32, %arg1: memref<1024x1024xf32, #tpu.memory_space<vmem>>, %arg2: memref<1024x512xf32, #tpu.memory_space<vmem>>, %arg3: memref<1x512xf32, #tpu.memory_space<vmem>>, %arg4: memref<512x512xf32, #tpu.memory_space<vmem>>, %arg5: memref<1x512xf32, #tpu.memory_space<vmem>>, %arg6: memref<512x8xf32, #tpu.memory_space<vmem>>, %arg7: memref<1x8xf32, #tpu.memory_space<vmem>>, %arg8: memref<1024x512xf32, #tpu.memory_space<vmem>>, %arg9: memref<1x512xf32, #tpu.memory_space<vmem>>, %arg10: memref<512x1xf32, #tpu.memory_space<vmem>>, %arg11: memref<1x1xf32, #tpu.memory_space<vmem>>, %arg12: memref<1024x512xf32, #tpu.memory_space<vmem>>, %arg13: memref<1x512xf32, #tpu.memory_space<vmem>>, %arg14: memref<512x1xf32, #tpu.memory_space<vmem>>, %arg15: memref<1x1xf32, #tpu.memory_space<vmem>>, %arg16: memref<1024x8xf32, #tpu.memory_space<vmem>>, %arg17: memref<1024x1xi32, #tpu.memory_space<vmem>>, %arg18: memref<1024x1xi32, #tpu.memory_space<vmem>>, %arg19: memref<1024x1xf32, #tpu.memory_space<vmem>>, %arg20: memref<1024x1xf32, #tpu.memory_space<vmem>>, %arg21: memref<1024x1xf32, #tpu.memory_space<vmem>>, %arg22: memref<1024x1xf32, #tpu.memory_space<vmem>>, %arg23: memref<1024x512xi32, #tpu.memory_space<vmem>>) attributes {dimension_semantics = [#tpu.dimension_semantics<parallel>], iteration_bounds = array<i64: 8>, scalar_prefetch = 0 : i64, scratch_operands = 0 : i64, tpu.core_type = #tpu.core_type<tc>, window_params = [{transform_indices = @transform_0, window_bounds = array<i64: 1024, 1024>}, {pipeline_mode = #tpu.pipeline_mode<synchronous>, transform_indices = @transform_1, window_bounds = array<i64: 1024, 512>}, {pipeline_mode = #tpu.pipeline_mode<synchronous>, transform_indices = @transform_2, window_bounds = array<i64: 1, 512>}, {pipeline_mode = #tpu.pipeline_mode<synchronous>, transform_indices = @transform_3, window_bounds = array<i64: 512, 512>}, {pipeline_mode = #tpu.pipeline_mode<synchronous>, transform_indices = @transform_4, window_bounds = array<i64: 1, 512>}, {pipeline_mode = #tpu.pipeline_mode<synchronous>, transform_indices = @transform_5, window_bounds = array<i64: 512, 8>}, {pipeline_mode = #tpu.pipeline_mode<synchronous>, transform_indices = @transform_6, window_bounds = array<i64: 1, 8>}, {pipeline_mode = #tpu.pipeline_mode<synchronous>, transform_indices = @transform_7, window_bounds = array<i64: 1024, 512>}, {pipeline_mode = #tpu.pipeline_mode<synchronous>, transform_indices = @transform_8, window_bounds = array<i64: 1, 512>}, {pipeline_mode = #tpu.pipeline_mode<synchronous>, transform_indices = @transform_9, window_bounds = array<i64: 512, 1>}, {pipeline_mode = #tpu.pipeline_mode<synchronous>, transform_indices = @transform_10, window_bounds = array<i64: 1, 1>}, {pipeline_mode = #tpu.pipeline_mode<synchronous>, transform_indices = @transform_11, window_bounds = array<i64: 1024, 512>}, {pipeline_mode = #tpu.pipeline_mode<synchronous>, transform_indices = @transform_12, window_bounds = array<i64: 1, 512>}, {pipeline_mode = #tpu.pipeline_mode<synchronous>, transform_indices = @transform_13, window_bounds = array<i64: 512, 1>}, {pipeline_mode = #tpu.pipeline_mode<synchronous>, transform_indices = @transform_14, window_bounds = array<i64: 1, 1>}, {transform_indices = @transform_15, window_bounds = array<i64: 1024, 8>}, {transform_indices = @transform_16, window_bounds = array<i64: 1024, 1>}, {transform_indices = @transform_17, window_bounds = array<i64: 1024, 1>}, {transform_indices = @transform_18, window_bounds = array<i64: 1024, 1>}, {transform_indices = @transform_19, window_bounds = array<i64: 1024, 1>}, {transform_indices = @transform_20, window_bounds = array<i64: 1024, 1>}, {transform_indices = @transform_21, window_bounds = array<i64: 1024, 1>}, {transform_indices = @transform_22, window_bounds = array<i64: 1024, 512>}]} {
    %get3A = arith.constant 0 : index
    %get3A_0 = arith.constant 0 : index
    %get3A_1 = vector.load %arg1[%get3A, %get3A_0] : memref<1024x1024xf32, #tpu.memory_space<vmem>>, vector<1024x1024xf32>
    %convert_element_type3A = arith.truncf %get3A_1 : vector<1024x1024xf32> to vector<1024x1024xbf16>
    %convert_element_type3A_2 = arith.extf %convert_element_type3A : vector<1024x1024xbf16> to vector<1024x1024xf32>
    %slice3A = vector.extract_strided_slice %convert_element_type3A_2 {offsets = [0, 0], sizes = [1024, 512], strides = [1, 1]} : vector<1024x1024xf32> to vector<1024x512xf32>
    %bitcast_convert_type3A = tpu.bitcast %slice3A : vector<1024x512xf32> -> vector<1024x512xi32>
    %shift_right_logical3A = arith.constant 16 : i32
    %shift_right_logical3A_3 = vector.broadcast %shift_right_logical3A : i32 to vector<1024x512xi32>
    %shift_right_logical3A_4 = arith.shrui %bitcast_convert_type3A, %shift_right_logical3A_3 : vector<1024x512xi32>
    %slice3A_5 = vector.extract_strided_slice %convert_element_type3A_2 {offsets = [0, 512], sizes = [1024, 512], strides = [1, 1]} : vector<1024x1024xf32> to vector<1024x512xf32>
    %bitcast_convert_type3A_6 = tpu.bitcast %slice3A_5 : vector<1024x512xf32> -> vector<1024x512xi32>
    %and3A = arith.constant -65536 : i32
    %and3A_7 = vector.broadcast %and3A : i32 to vector<1024x512xi32>
    %and3A_8 = arith.andi %bitcast_convert_type3A_6, %and3A_7 : vector<1024x512xi32>
    %or3A = arith.ori %shift_right_logical3A_4, %and3A_8 : vector<1024x512xi32>
    %bitcast_convert_type3A_9 = tpu.bitcast %or3A : vector<1024x512xi32> -> vector<1024x512xi32>
    %swap3A = arith.constant 0 : index
    %swap3A_10 = arith.constant 0 : index
    %swap3A_11 = vector.load %arg23[%swap3A, %swap3A_10] : memref<1024x512xi32, #tpu.memory_space<vmem>>, vector<1024x512xi32>
    tpu.vector_store %arg23[%swap3A, %swap3A_10], %bitcast_convert_type3A_9 {strides = array<i32>} : memref<1024x512xi32, #tpu.memory_space<vmem>>, vector<1024x512xi32>,
    %get3A_12 = arith.constant 0 : index
    %get3A_13 = arith.constant 0 : index
    %get3A_14 = vector.load %arg2[%get3A_12, %get3A_13] : memref<1024x512xf32, #tpu.memory_space<vmem>>, vector<1024x512xf32>
    %convert_element_type3A_15 = arith.truncf %get3A_1 : vector<1024x1024xf32> to vector<1024x1024xbf16>
    %convert_element_type3A_16 = arith.truncf %get3A_14 : vector<1024x512xf32> to vector<1024x512xbf16>
    %dot_general3A = arith.constant dense<0.000000e+00> : vector<1024x512xf32>
    %dot_general3A_17 = tpu.matmul %convert_element_type3A_15, %convert_element_type3A_16, %dot_general3A {dimension_numbers = #tpu.dot_dimension_numbers<[1], [0], [0], [1], [0, 0, 1, 1], [], []>, transpose_lhs_hint = false} : vector<1024x1024xbf16>, vector<1024x512xbf16>, vector<1024x512xf32> -> vector<1024x512xf32>
    %get3A_18 = arith.constant 0 : index
    %get3A_19 = arith.constant 0 : index
    %get3A_20 = vector.load %arg3[%get3A_18, %get3A_19] : memref<1x512xf32, #tpu.memory_space<vmem>>, vector<1x512xf32>
    %add3A = vector.broadcast %get3A_20 : vector<1x512xf32> to vector<1024x512xf32>
    %add3A_21 = arith.addf %dot_general3A_17, %add3A : vector<1024x512xf32>
    %max3A = arith.constant 0.000000e+00 : f32
    %max3A_22 = vector.broadcast %max3A : f32 to vector<1024x512xf32>
    %max3A_23 = arith.maximumf %add3A_21, %max3A_22 : vector<1024x512xf32>
    %get3A_24 = arith.constant 0 : index
    %get3A_25 = arith.constant 0 : index
    %get3A_26 = vector.load %arg4[%get3A_24, %get3A_25] : memref<512x512xf32, #tpu.memory_space<vmem>>, vector<512x512xf32>
    %convert_element_type3A_27 = arith.truncf %max3A_23 : vector<1024x512xf32> to vector<1024x512xbf16>
    %convert_element_type3A_28 = arith.truncf %get3A_26 : vector<512x512xf32> to vector<512x512xbf16>
    %dot_general3A_29 = arith.constant dense<0.000000e+00> : vector<1024x512xf32>
    %dot_general3A_30 = tpu.matmul %convert_element_type3A_27, %convert_element_type3A_28, %dot_general3A_29 {dimension_numbers = #tpu.dot_dimension_numbers<[1], [0], [0], [1], [0, 0, 1, 1], [], []>, transpose_lhs_hint = false} : vector<1024x512xbf16>, vector<512x512xbf16>, vector<1024x512xf32> -> vector<1024x512xf32>
    %get3A_31 = arith.constant 0 : index
    %get3A_32 = arith.constant 0 : index
    %get3A_33 = vector.load %arg5[%get3A_31, %get3A_32] : memref<1x512xf32, #tpu.memory_space<vmem>>, vector<1x512xf32>
    %add3A_34 = vector.broadcast %get3A_33 : vector<1x512xf32> to vector<1024x512xf32>
    %add3A_35 = arith.addf %dot_general3A_30, %add3A_34 : vector<1024x512xf32>
    %max3A_36 = arith.constant 0.000000e+00 : f32
    %max3A_37 = vector.broadcast %max3A_36 : f32 to vector<1024x512xf32>
    %max3A_38 = arith.maximumf %add3A_35, %max3A_37 : vector<1024x512xf32>
    %get3A_39 = arith.constant 0 : index
    %get3A_40 = arith.constant 0 : index
    %get3A_41 = vector.load %arg6[%get3A_39, %get3A_40] : memref<512x8xf32, #tpu.memory_space<vmem>>, vector<512x8xf32>
    %convert_element_type3A_42 = arith.truncf %max3A_38 : vector<1024x512xf32> to vector<1024x512xbf16>
    %convert_element_type3A_43 = arith.truncf %get3A_41 : vector<512x8xf32> to vector<512x8xbf16>
    %dot_general3A_44 = arith.constant dense<0.000000e+00> : vector<1024x8xf32>
    %dot_general3A_45 = tpu.matmul %convert_element_type3A_42, %convert_element_type3A_43, %dot_general3A_44 {dimension_numbers = #tpu.dot_dimension_numbers<[1], [0], [0], [1], [0, 0, 1, 1], [], []>, transpose_lhs_hint = false} : vector<1024x512xbf16>, vector<512x8xbf16>, vector<1024x8xf32> -> vector<1024x8xf32>
    %get3A_46 = arith.constant 0 : index
    %get3A_47 = arith.constant 0 : index
    %get3A_48 = vector.load %arg7[%get3A_46, %get3A_47] : memref<1x8xf32, #tpu.memory_space<vmem>>, vector<1x8xf32>
    %add3A_49 = vector.broadcast %get3A_48 : vector<1x8xf32> to vector<1024x8xf32>
    %add3A_50 = arith.addf %dot_general3A_45, %add3A_49 : vector<1024x8xf32>
    %reduce_max3A = arith.constant dense<0xFF800000> : vector<1024xf32>
    %reduce_max3A_51 = vector.multi_reduction <maximumf>, %add3A_50, %reduce_max3A [1] : vector<1024x8xf32> to vector<1024xf32>
    %broadcast_in_dim3A = vector.shape_cast %reduce_max3A_51 : vector<1024xf32> to vector<1024x1xf32>
    %sub3A = vector.broadcast %broadcast_in_dim3A : vector<1024x1xf32> to vector<1024x8xf32>
    %sub3A_52 = arith.subf %add3A_50, %sub3A : vector<1024x8xf32>
    %exp3A = math.exp %sub3A_52 : vector<1024x8xf32>
    %reduce_sum3A = arith.constant dense<0.000000e+00> : vector<1024xf32>
    %reduce_sum3A_53 = vector.multi_reduction <add>, %exp3A, %reduce_sum3A [1] : vector<1024x8xf32> to vector<1024xf32>
    %broadcast_in_dim3A_54 = vector.shape_cast %reduce_sum3A_53 : vector<1024xf32> to vector<1024x1xf32>
    %div3A = vector.broadcast %broadcast_in_dim3A_54 : vector<1024x1xf32> to vector<1024x8xf32>
    %div3A_55 = arith.divf %exp3A, %div3A : vector<1024x8xf32>
    %swap3A_56 = arith.constant 0 : index
    %swap3A_57 = arith.constant 0 : index
    %swap3A_58 = vector.load %arg16[%swap3A_56, %swap3A_57] : memref<1024x8xf32, #tpu.memory_space<vmem>>, vector<1024x8xf32>
    tpu.vector_store %arg16[%swap3A_56, %swap3A_57], %div3A_55 {strides = array<i32>} : memref<1024x8xf32, #tpu.memory_space<vmem>>, vector<1024x8xf32>,
    %iota3A = tpu.iota {dimensions = array<i32: 1>} : vector<1024x8xi32>
    %reduce_max3A_59 = arith.constant dense<0xFF800000> : vector<1024xf32>
    %reduce_max3A_60 = vector.multi_reduction <maximumf>, %div3A_55, %reduce_max3A_59 [1] : vector<1024x8xf32> to vector<1024xf32>
    %broadcast_in_dim3A_61 = vector.shape_cast %reduce_max3A_60 : vector<1024xf32> to vector<1024x1xf32>
    %eq3A = vector.broadcast %broadcast_in_dim3A_61 : vector<1024x1xf32> to vector<1024x8xf32>
    %eq3A_62 = arith.cmpf oeq, %div3A_55, %eq3A : vector<1024x8xf32>
    %jit3A = arith.constant 8 : i32
    %broadcast_in_dim3A_63 = vector.broadcast %jit3A : i32 to vector<1024x8xi32>
    %select_n3A = arith.select %eq3A_62, %iota3A, %broadcast_in_dim3A_63 : vector<1024x8xi1>, vector<1024x8xi32>
    %reduce_min3A = arith.constant dense<2147483647> : vector<1024xi32>
    %reduce_min3A_64 = vector.multi_reduction <minsi>, %select_n3A, %reduce_min3A [1] : vector<1024x8xi32> to vector<1024xi32>
    %broadcast_in_dim3A_65 = vector.shape_cast %reduce_min3A_64 : vector<1024xi32> to vector<1024x1xi32>
    %eq3A_66 = vector.broadcast %broadcast_in_dim3A_65 : vector<1024x1xi32> to vector<1024x8xi32>
    %eq3A_67 = arith.cmpi eq, %iota3A, %eq3A_66 : vector<1024x8xi32>
    %jit3A_68 = arith.constant -1.000000e+00 : f32
    %broadcast_in_dim3A_69 = vector.broadcast %jit3A_68 : f32 to vector<1024x8xf32>
    %select_n3A_70 = arith.select %eq3A_67, %broadcast_in_dim3A_69, %div3A_55 : vector<1024x8xi1>, vector<1024x8xf32>
    %reduce_max3A_71 = arith.constant dense<0xFF800000> : vector<1024xf32>
    %reduce_max3A_72 = vector.multi_reduction <maximumf>, %select_n3A_70, %reduce_max3A_71 [1] : vector<1024x8xf32> to vector<1024xf32>
    %broadcast_in_dim3A_73 = vector.shape_cast %reduce_max3A_72 : vector<1024xf32> to vector<1024x1xf32>
    %eq3A_74 = vector.broadcast %broadcast_in_dim3A_73 : vector<1024x1xf32> to vector<1024x8xf32>
    %eq3A_75 = arith.cmpf oeq, %select_n3A_70, %eq3A_74 : vector<1024x8xf32>
    %jit3A_76 = arith.constant 8 : i32
    %broadcast_in_dim3A_77 = vector.broadcast %jit3A_76 : i32 to vector<1024x8xi32>
    %select_n3A_78 = arith.select %eq3A_75, %iota3A, %broadcast_in_dim3A_77 : vector<1024x8xi1>, vector<1024x8xi32>
    %reduce_min3A_79 = arith.constant dense<2147483647> : vector<1024xi32>
    %reduce_min3A_80 = vector.multi_reduction <minsi>, %select_n3A_78, %reduce_min3A_79 [1] : vector<1024x8xi32> to vector<1024xi32>
    %broadcast_in_dim3A_81 = vector.shape_cast %reduce_min3A_80 : vector<1024xi32> to vector<1024x1xi32>
    %add3A_82 = arith.addf %broadcast_in_dim3A_61, %broadcast_in_dim3A_73 : vector<1024x1xf32>
    %swap3A_83 = arith.constant 0 : index
    %swap3A_84 = arith.constant 0 : index
    %swap3A_85 = vector.load %arg17[%swap3A_83, %swap3A_84] : memref<1024x1xi32, #tpu.memory_space<vmem>>, vector<1024x1xi32>
    tpu.vector_store %arg17[%swap3A_83, %swap3A_84], %broadcast_in_dim3A_65 {strides = array<i32>} : memref<1024x1xi32, #tpu.memory_space<vmem>>, vector<1024x1xi32>,
    %swap3A_86 = arith.constant 0 : index
    %swap3A_87 = arith.constant 0 : index
    %swap3A_88 = vector.load %arg18[%swap3A_86, %swap3A_87] : memref<1024x1xi32, #tpu.memory_space<vmem>>, vector<1024x1xi32>
    tpu.vector_store %arg18[%swap3A_86, %swap3A_87], %broadcast_in_dim3A_81 {strides = array<i32>} : memref<1024x1xi32, #tpu.memory_space<vmem>>, vector<1024x1xi32>,
    %div3A_89 = arith.divf %broadcast_in_dim3A_61, %add3A_82 : vector<1024x1xf32>
    %swap3A_90 = arith.constant 0 : index
    %swap3A_91 = arith.constant 0 : index
    %swap3A_92 = vector.load %arg19[%swap3A_90, %swap3A_91] : memref<1024x1xf32, #tpu.memory_space<vmem>>, vector<1024x1xf32>
    tpu.vector_store %arg19[%swap3A_90, %swap3A_91], %div3A_89 {strides = array<i32>} : memref<1024x1xf32, #tpu.memory_space<vmem>>, vector<1024x1xf32>,
    %div3A_93 = arith.divf %broadcast_in_dim3A_73, %add3A_82 : vector<1024x1xf32>
    %swap3A_94 = arith.constant 0 : index
    %swap3A_95 = arith.constant 0 : index
    %swap3A_96 = vector.load %arg20[%swap3A_94, %swap3A_95] : memref<1024x1xf32, #tpu.memory_space<vmem>>, vector<1024x1xf32>
    tpu.vector_store %arg20[%swap3A_94, %swap3A_95], %div3A_93 {strides = array<i32>} : memref<1024x1xf32, #tpu.memory_space<vmem>>, vector<1024x1xf32>,
    %get3A_97 = arith.constant 0 : index
    %get3A_98 = arith.constant 0 : index
    %get3A_99 = vector.load %arg8[%get3A_97, %get3A_98] : memref<1024x512xf32, #tpu.memory_space<vmem>>, vector<1024x512xf32>
    %convert_element_type3A_100 = arith.truncf %get3A_1 : vector<1024x1024xf32> to vector<1024x1024xbf16>
    %convert_element_type3A_101 = arith.truncf %get3A_99 : vector<1024x512xf32> to vector<1024x512xbf16>
    %dot_general3A_102 = arith.constant dense<0.000000e+00> : vector<1024x512xf32>
    %dot_general3A_103 = tpu.matmul %convert_element_type3A_100, %convert_element_type3A_101, %dot_general3A_102 {dimension_numbers = #tpu.dot_dimension_numbers<[1], [0], [0], [1], [0, 0, 1, 1], [], []>, transpose_lhs_hint = false} : vector<1024x1024xbf16>, vector<1024x512xbf16>, vector<1024x512xf32> -> vector<1024x512xf32>
    %get3A_104 = arith.constant 0 : index
    %get3A_105 = arith.constant 0 : index
    %get3A_106 = vector.load %arg9[%get3A_104, %get3A_105] : memref<1x512xf32, #tpu.memory_space<vmem>>, vector<1x512xf32>
    %add3A_107 = vector.broadcast %get3A_106 : vector<1x512xf32> to vector<1024x512xf32>
    %add3A_108 = arith.addf %dot_general3A_103, %add3A_107 : vector<1024x512xf32>
    %max3A_109 = arith.constant 0.000000e+00 : f32
    %max3A_110 = vector.broadcast %max3A_109 : f32 to vector<1024x512xf32>
    %max3A_111 = arith.maximumf %add3A_108, %max3A_110 : vector<1024x512xf32>
    %get3A_112 = arith.constant 0 : index
    %get3A_113 = arith.constant 0 : index
    %get3A_114 = vector.load %arg10[%get3A_112, %get3A_113] : memref<512x1xf32, #tpu.memory_space<vmem>>, vector<512x1xf32>
    %convert_element_type3A_115 = arith.truncf %max3A_111 : vector<1024x512xf32> to vector<1024x512xbf16>
    %convert_element_type3A_116 = arith.truncf %get3A_114 : vector<512x1xf32> to vector<512x1xbf16>
    %dot_general3A_117 = arith.constant dense<0.000000e+00> : vector<1024x1xf32>
    %dot_general3A_118 = tpu.matmul %convert_element_type3A_115, %convert_element_type3A_116, %dot_general3A_117 {dimension_numbers = #tpu.dot_dimension_numbers<[1], [0], [0], [1], [0, 0, 1, 1], [], []>, transpose_lhs_hint = false} : vector<1024x512xbf16>, vector<512x1xbf16>, vector<1024x1xf32> -> vector<1024x1xf32>
    %get3A_119 = arith.constant 0 : index
    %get3A_120 = arith.constant 0 : index
    %get3A_121 = vector.load %arg11[%get3A_119, %get3A_120] : memref<1x1xf32, #tpu.memory_space<vmem>>, vector<1x1xf32>
    %add3A_122 = vector.broadcast %get3A_121 : vector<1x1xf32> to vector<1024x1xf32>
    %add3A_123 = arith.addf %dot_general3A_118, %add3A_122 : vector<1024x1xf32>
    %tanh3A = math.tanh %add3A_123 : vector<1024x1xf32>
    %swap3A_124 = arith.constant 0 : index
    %swap3A_125 = arith.constant 0 : index
    %swap3A_126 = vector.load %arg21[%swap3A_124, %swap3A_125] : memref<1024x1xf32, #tpu.memory_space<vmem>>, vector<1024x1xf32>
    tpu.vector_store %arg21[%swap3A_124, %swap3A_125], %tanh3A {strides = array<i32>} : memref<1024x1xf32, #tpu.memory_space<vmem>>, vector<1024x1xf32>,
    %get3A_127 = arith.constant 0 : index
    %get3A_128 = arith.constant 0 : index
    %get3A_129 = vector.load %arg12[%get3A_127, %get3A_128] : memref<1024x512xf32, #tpu.memory_space<vmem>>, vector<1024x512xf32>
    %convert_element_type3A_130 = arith.truncf %get3A_1 : vector<1024x1024xf32> to vector<1024x1024xbf16>
    %convert_element_type3A_131 = arith.truncf %get3A_129 : vector<1024x512xf32> to vector<1024x512xbf16>
    %dot_general3A_132 = arith.constant dense<0.000000e+00> : vector<1024x512xf32>
    %dot_general3A_133 = tpu.matmul %convert_element_type3A_130, %convert_element_type3A_131, %dot_general3A_132 {dimension_numbers = #tpu.dot_dimension_numbers<[1], [0], [0], [1], [0, 0, 1, 1], [], []>, transpose_lhs_hint = false} : vector<1024x1024xbf16>, vector<1024x512xbf16>, vector<1024x512xf32> -> vector<1024x512xf32>
    %get3A_134 = arith.constant 0 : index
    %get3A_135 = arith.constant 0 : index
    %get3A_136 = vector.load %arg13[%get3A_134, %get3A_135] : memref<1x512xf32, #tpu.memory_space<vmem>>, vector<1x512xf32>
    %add3A_137 = vector.broadcast %get3A_136 : vector<1x512xf32> to vector<1024x512xf32>
    %add3A_138 = arith.addf %dot_general3A_133, %add3A_137 : vector<1024x512xf32>
    %max3A_139 = arith.constant 0.000000e+00 : f32
    %max3A_140 = vector.broadcast %max3A_139 : f32 to vector<1024x512xf32>
    %max3A_141 = arith.maximumf %add3A_138, %max3A_140 : vector<1024x512xf32>
    %get3A_142 = arith.constant 0 : index
    %get3A_143 = arith.constant 0 : index
    %get3A_144 = vector.load %arg14[%get3A_142, %get3A_143] : memref<512x1xf32, #tpu.memory_space<vmem>>, vector<512x1xf32>
    %convert_element_type3A_145 = arith.truncf %max3A_141 : vector<1024x512xf32> to vector<1024x512xbf16>
    %convert_element_type3A_146 = arith.truncf %get3A_144 : vector<512x1xf32> to vector<512x1xbf16>
    %dot_general3A_147 = arith.constant dense<0.000000e+00> : vector<1024x1xf32>
    %dot_general3A_148 = tpu.matmul %convert_element_type3A_145, %convert_element_type3A_146, %dot_general3A_147 {dimension_numbers = #tpu.dot_dimension_numbers<[1], [0], [0], [1], [0, 0, 1, 1], [], []>, transpose_lhs_hint = false} : vector<1024x512xbf16>, vector<512x1xbf16>, vector<1024x1xf32> -> vector<1024x1xf32>
    %get3A_149 = arith.constant 0 : index
    %get3A_150 = arith.constant 0 : index
    %get3A_151 = vector.load %arg15[%get3A_149, %get3A_150] : memref<1x1xf32, #tpu.memory_space<vmem>>, vector<1x1xf32>
    %add3A_152 = vector.broadcast %get3A_151 : vector<1x1xf32> to vector<1024x1xf32>
    %add3A_153 = arith.addf %dot_general3A_148, %add3A_152 : vector<1024x1xf32>
    %logistic3A = arith.negf %add3A_153 : vector<1024x1xf32>
    %logistic3A_154 = math.exp %logistic3A : vector<1024x1xf32>
    %logistic3A_155 = arith.constant 1.000000e+00 : f32
    %logistic3A_156 = vector.broadcast %logistic3A_155 : f32 to vector<1024x1xf32>
    %logistic3A_157 = arith.addf %logistic3A_156, %logistic3A_154 : vector<1024x1xf32>
    %logistic3A_158 = arith.divf %logistic3A_156, %logistic3A_157 : vector<1024x1xf32>
    %swap3A_159 = arith.constant 0 : index
    %swap3A_160 = arith.constant 0 : index
    %swap3A_161 = vector.load %arg22[%swap3A_159, %swap3A_160] : memref<1024x1xf32, #tpu.memory_space<vmem>>, vector<1024x1xf32>
    tpu.vector_store %arg22[%swap3A_159, %swap3A_160], %logistic3A_158 {strides = array<i32>} : memref<1024x1xf32, #tpu.memory_space<vmem>>, vector<1024x1xf32>,
    return
  }
  func.func @transform_0(%arg0: i32) -> (i32, i32) {
    %c0_i32 = arith.constant 0 : i32
    %c0_i32_0 = arith.constant 0 : i32
    return %arg0, %c0_i32 : i32, i32
  }
  func.func @transform_1(%arg0: i32) -> (i32, i32) {
    %c0_i32 = arith.constant 0 : i32
    %c0_i32_0 = arith.constant 0 : i32
    %c0_i32_1 = arith.constant 0 : i32
    return %c0_i32, %c0_i32_0 : i32, i32
  }
  func.func @transform_2(%arg0: i32) -> (i32, i32) {
    %c0_i32 = arith.constant 0 : i32
    %c0_i32_0 = arith.constant 0 : i32
    %c0_i32_1 = arith.constant 0 : i32
    return %c0_i32, %c0_i32_0 : i32, i32
  }
  func.func @transform_3(%arg0: i32) -> (i32, i32) {
    %c0_i32 = arith.constant 0 : i32
    %c0_i32_0 = arith.constant 0 : i32
    %c0_i32_1 = arith.constant 0 : i32
    return %c0_i32, %c0_i32_0 : i32, i32
  }
  func.func @transform_4(%arg0: i32) -> (i32, i32) {
    %c0_i32 = arith.constant 0 : i32
    %c0_i32_0 = arith.constant 0 : i32
    %c0_i32_1 = arith.constant 0 : i32
    return %c0_i32, %c0_i32_0 : i32, i32
  }
  func.func @transform_5(%arg0: i32) -> (i32, i32) {
    %c0_i32 = arith.constant 0 : i32
    %c0_i32_0 = arith.constant 0 : i32
    %c0_i32_1 = arith.constant 0 : i32
    return %c0_i32, %c0_i32_0 : i32, i32
  }
  func.func @transform_6(%arg0: i32) -> (i32, i32) {
    %c0_i32 = arith.constant 0 : i32
    %c0_i32_0 = arith.constant 0 : i32
    %c0_i32_1 = arith.constant 0 : i32
    return %c0_i32, %c0_i32_0 : i32, i32
  }
  func.func @transform_7(%arg0: i32) -> (i32, i32) {
    %c0_i32 = arith.constant 0 : i32
    %c0_i32_0 = arith.constant 0 : i32
    %c0_i32_1 = arith.constant 0 : i32
    return %c0_i32, %c0_i32_0 : i32, i32
  }
  func.func @transform_8(%arg0: i32) -> (i32, i32) {
    %c0_i32 = arith.constant 0 : i32
    %c0_i32_0 = arith.constant 0 : i32
    %c0_i32_1 = arith.constant 0 : i32
    return %c0_i32, %c0_i32_0 : i32, i32
  }
  func.func @transform_9(%arg0: i32) -> (i32, i32) {
    %c0_i32 = arith.constant 0 : i32
    %c0_i32_0 = arith.constant 0 : i32
    %c0_i32_1 = arith.constant 0 : i32
    return %c0_i32, %c0_i32_0 : i32, i32
  }
  func.func @transform_10(%arg0: i32) -> (i32, i32) {
    %c0_i32 = arith.constant 0 : i32
    %c0_i32_0 = arith.constant 0 : i32
    %c0_i32_1 = arith.constant 0 : i32
    return %c0_i32, %c0_i32_0 : i32, i32
  }
  func.func @transform_11(%arg0: i32) -> (i32, i32) {
    %c0_i32 = arith.constant 0 : i32
    %c0_i32_0 = arith.constant 0 : i32
    %c0_i32_1 = arith.constant 0 : i32
    return %c0_i32, %c0_i32_0 : i32, i32
  }
  func.func @transform_12(%arg0: i32) -> (i32, i32) {
    %c0_i32 = arith.constant 0 : i32
    %c0_i32_0 = arith.constant 0 : i32
    %c0_i32_1 = arith.constant 0 : i32
    return %c0_i32, %c0_i32_0 : i32, i32
  }
  func.func @transform_13(%arg0: i32) -> (i32, i32) {
    %c0_i32 = arith.constant 0 : i32
    %c0_i32_0 = arith.constant 0 : i32
    %c0_i32_1 = arith.constant 0 : i32
    return %c0_i32, %c0_i32_0 : i32, i32
  }
  func.func @transform_14(%arg0: i32) -> (i32, i32) {
    %c0_i32 = arith.constant 0 : i32
    %c0_i32_0 = arith.constant 0 : i32
    %c0_i32_1 = arith.constant 0 : i32
    return %c0_i32, %c0_i32_0 : i32, i32
  }
  func.func @transform_15(%arg0: i32) -> (i32, i32) {
    %c0_i32 = arith.constant 0 : i32
    %c0_i32_0 = arith.constant 0 : i32
    return %arg0, %c0_i32 : i32, i32
  }
  func.func @transform_16(%arg0: i32) -> (i32, i32) {
    %c0_i32 = arith.constant 0 : i32
    %c0_i32_0 = arith.constant 0 : i32
    return %arg0, %c0_i32 : i32, i32
  }
  func.func @transform_17(%arg0: i32) -> (i32, i32) {
    %c0_i32 = arith.constant 0 : i32
    %c0_i32_0 = arith.constant 0 : i32
    return %arg0, %c0_i32 : i32, i32
  }
  func.func @transform_18(%arg0: i32) -> (i32, i32) {
    %c0_i32 = arith.constant 0 : i32
    %c0_i32_0 = arith.constant 0 : i32
    return %arg0, %c0_i32 : i32, i32
  }
  func.func @transform_19(%arg0: i32) -> (i32, i32) {
    %c0_i32 = arith.constant 0 : i32
    %c0_i32_0 = arith.constant 0 : i32
    return %arg0, %c0_i32 : i32, i32
  }
  func.func @transform_20(%arg0: i32) -> (i32, i32) {
    %c0_i32 = arith.constant 0 : i32
    %c0_i32_0 = arith.constant 0 : i32
    return %arg0, %c0_i32 : i32, i32
  }
  func.func @transform_21(%arg0: i32) -> (i32, i32) {
    %c0_i32 = arith.constant 0 : i32
    %c0_i32_0 = arith.constant 0 : i32
    return %arg0, %c0_i32 : i32, i32
  }
  func.func @transform_22(%arg0: i32) -> (i32, i32) {
    %c0_i32 = arith.constant 0 : i32
    %c0_i32_0 = arith.constant 0 : i32
    return %arg0, %c0_i32 : i32, i32
  }
}

module attributes {stable_mosaic.version = 14 : i64} {
  func.func @_expert_kernel(%arg0: i32, %arg1: memref<40xi32, #tpu.memory_space<smem>>, %arg2: memref<512x512xi32, #tpu.memory_space<vmem>>, %arg3: memref<1x512x512xf32, #tpu.memory_space<vmem>>, %arg4: memref<1x512x512xf32, #tpu.memory_space<vmem>>, %arg5: memref<1x1x512xf32, #tpu.memory_space<vmem>>, %arg6: memref<1x512x512xf32, #tpu.memory_space<vmem>>, %arg7: memref<1x1x512xf32, #tpu.memory_space<vmem>>, %arg8: memref<1x512x1024xf32, #tpu.memory_space<vmem>>, %arg9: memref<1x1x1024xf32, #tpu.memory_space<vmem>>, %arg10: memref<512x512xi32, #tpu.memory_space<vmem>>) attributes {dimension_semantics = [#tpu.dimension_semantics<arbitrary>], iteration_bounds = array<i64: 40>, scalar_prefetch = 1 : i64, scratch_operands = 0 : i64, tpu.core_type = #tpu.core_type<tc>, window_params = [{transform_indices = @transform_0, window_bounds = array<i64: 512, 512>}, {transform_indices = @transform_1, window_bounds = array<i64: 1, 512, 512>}, {transform_indices = @transform_2, window_bounds = array<i64: 1, 512, 512>}, {transform_indices = @transform_3, window_bounds = array<i64: 1, 1, 512>}, {transform_indices = @transform_4, window_bounds = array<i64: 1, 512, 512>}, {transform_indices = @transform_5, window_bounds = array<i64: 1, 1, 512>}, {transform_indices = @transform_6, window_bounds = array<i64: 1, 512, 1024>}, {transform_indices = @transform_7, window_bounds = array<i64: 1, 1, 1024>}, {transform_indices = @transform_8, window_bounds = array<i64: 512, 512>}]} {
    %get3A = arith.constant 0 : index
    %get3A_0 = arith.constant 0 : index
    %get3A_1 = vector.load %arg2[%get3A, %get3A_0] : memref<512x512xi32, #tpu.memory_space<vmem>>, vector<512x512xi32>
    %bitcast_convert_type3A = tpu.bitcast %get3A_1 : vector<512x512xi32> -> vector<512x512xi32>
    %shift_left3A = arith.constant 16 : i32
    %shift_left3A_2 = vector.broadcast %shift_left3A : i32 to vector<512x512xi32>
    %shift_left3A_3 = arith.shli %bitcast_convert_type3A, %shift_left3A_2 : vector<512x512xi32>
    %bitcast_convert_type3A_4 = tpu.bitcast %shift_left3A_3 : vector<512x512xi32> -> vector<512x512xf32>
    %and3A = arith.constant -65536 : i32
    %and3A_5 = vector.broadcast %and3A : i32 to vector<512x512xi32>
    %and3A_6 = arith.andi %bitcast_convert_type3A, %and3A_5 : vector<512x512xi32>
    %bitcast_convert_type3A_7 = tpu.bitcast %and3A_6 : vector<512x512xi32> -> vector<512x512xf32>
    %get3A_8 = arith.constant 0 : index
    %get3A_9 = arith.constant 0 : index
    %get3A_10 = arith.constant 0 : index
    %get3A_11 = vector.load %arg3[%get3A_8, %get3A_9, %get3A_10] : memref<1x512x512xf32, #tpu.memory_space<vmem>>, vector<1x512x512xf32>
    %get3A_12 = vector.shape_cast %get3A_11 : vector<1x512x512xf32> to vector<512x512xf32>
    %convert_element_type3A = arith.truncf %bitcast_convert_type3A_4 : vector<512x512xf32> to vector<512x512xbf16>
    %convert_element_type3A_13 = arith.truncf %get3A_12 : vector<512x512xf32> to vector<512x512xbf16>
    %dot_general3A = arith.constant dense<0.000000e+00> : vector<512x512xf32>
    %dot_general3A_14 = tpu.matmul %convert_element_type3A, %convert_element_type3A_13, %dot_general3A {dimension_numbers = #tpu.dot_dimension_numbers<[1], [0], [0], [1], [0, 0, 1, 1], [], []>, transpose_lhs_hint = false} : vector<512x512xbf16>, vector<512x512xbf16>, vector<512x512xf32> -> vector<512x512xf32>
    %get3A_15 = arith.constant 0 : index
    %get3A_16 = arith.constant 0 : index
    %get3A_17 = arith.constant 0 : index
    %get3A_18 = vector.load %arg4[%get3A_15, %get3A_16, %get3A_17] : memref<1x512x512xf32, #tpu.memory_space<vmem>>, vector<1x512x512xf32>
    %get3A_19 = vector.shape_cast %get3A_18 : vector<1x512x512xf32> to vector<512x512xf32>
    %convert_element_type3A_20 = arith.truncf %bitcast_convert_type3A_7 : vector<512x512xf32> to vector<512x512xbf16>
    %convert_element_type3A_21 = arith.truncf %get3A_19 : vector<512x512xf32> to vector<512x512xbf16>
    %dot_general3A_22 = arith.constant dense<0.000000e+00> : vector<512x512xf32>
    %dot_general3A_23 = tpu.matmul %convert_element_type3A_20, %convert_element_type3A_21, %dot_general3A_22 {dimension_numbers = #tpu.dot_dimension_numbers<[1], [0], [0], [1], [0, 0, 1, 1], [], []>, transpose_lhs_hint = false} : vector<512x512xbf16>, vector<512x512xbf16>, vector<512x512xf32> -> vector<512x512xf32>
    %add3A = arith.addf %dot_general3A_14, %dot_general3A_23 : vector<512x512xf32>
    %get3A_24 = arith.constant 0 : index
    %get3A_25 = arith.constant 0 : index
    %get3A_26 = arith.constant 0 : index
    %get3A_27 = vector.load %arg5[%get3A_24, %get3A_25, %get3A_26] : memref<1x1x512xf32, #tpu.memory_space<vmem>>, vector<1x1x512xf32>
    %get3A_28 = vector.shape_cast %get3A_27 : vector<1x1x512xf32> to vector<1x512xf32>
    %add3A_29 = vector.broadcast %get3A_28 : vector<1x512xf32> to vector<512x512xf32>
    %add3A_30 = arith.addf %add3A, %add3A_29 : vector<512x512xf32>
    %max3A = arith.constant 0.000000e+00 : f32
    %max3A_31 = vector.broadcast %max3A : f32 to vector<512x512xf32>
    %max3A_32 = arith.maximumf %add3A_30, %max3A_31 : vector<512x512xf32>
    %get3A_33 = arith.constant 0 : index
    %get3A_34 = arith.constant 0 : index
    %get3A_35 = arith.constant 0 : index
    %get3A_36 = vector.load %arg6[%get3A_33, %get3A_34, %get3A_35] : memref<1x512x512xf32, #tpu.memory_space<vmem>>, vector<1x512x512xf32>
    %get3A_37 = vector.shape_cast %get3A_36 : vector<1x512x512xf32> to vector<512x512xf32>
    %convert_element_type3A_38 = arith.truncf %max3A_32 : vector<512x512xf32> to vector<512x512xbf16>
    %convert_element_type3A_39 = arith.truncf %get3A_37 : vector<512x512xf32> to vector<512x512xbf16>
    %dot_general3A_40 = arith.constant dense<0.000000e+00> : vector<512x512xf32>
    %dot_general3A_41 = tpu.matmul %convert_element_type3A_38, %convert_element_type3A_39, %dot_general3A_40 {dimension_numbers = #tpu.dot_dimension_numbers<[1], [0], [0], [1], [0, 0, 1, 1], [], []>, transpose_lhs_hint = false} : vector<512x512xbf16>, vector<512x512xbf16>, vector<512x512xf32> -> vector<512x512xf32>
    %get3A_42 = arith.constant 0 : index
    %get3A_43 = arith.constant 0 : index
    %get3A_44 = arith.constant 0 : index
    %get3A_45 = vector.load %arg7[%get3A_42, %get3A_43, %get3A_44] : memref<1x1x512xf32, #tpu.memory_space<vmem>>, vector<1x1x512xf32>
    %get3A_46 = vector.shape_cast %get3A_45 : vector<1x1x512xf32> to vector<1x512xf32>
    %add3A_47 = vector.broadcast %get3A_46 : vector<1x512xf32> to vector<512x512xf32>
    %add3A_48 = arith.addf %dot_general3A_41, %add3A_47 : vector<512x512xf32>
    %max3A_49 = arith.constant 0.000000e+00 : f32
    %max3A_50 = vector.broadcast %max3A_49 : f32 to vector<512x512xf32>
    %max3A_51 = arith.maximumf %add3A_48, %max3A_50 : vector<512x512xf32>
    %get3A_52 = arith.constant 0 : index
    %get3A_53 = arith.constant 0 : index
    %get3A_54 = arith.constant 0 : index
    %get3A_55 = vector.load %arg8[%get3A_52, %get3A_53, %get3A_54] : memref<1x512x1024xf32, #tpu.memory_space<vmem>>, vector<1x512x1024xf32>
    %get3A_56 = vector.shape_cast %get3A_55 : vector<1x512x1024xf32> to vector<512x1024xf32>
    %convert_element_type3A_57 = arith.truncf %max3A_51 : vector<512x512xf32> to vector<512x512xbf16>
    %convert_element_type3A_58 = arith.truncf %get3A_56 : vector<512x1024xf32> to vector<512x1024xbf16>
    %dot_general3A_59 = arith.constant dense<0.000000e+00> : vector<512x1024xf32>
    %dot_general3A_60 = tpu.matmul %convert_element_type3A_57, %convert_element_type3A_58, %dot_general3A_59 {dimension_numbers = #tpu.dot_dimension_numbers<[1], [0], [0], [1], [0, 0, 1, 1], [], []>, transpose_lhs_hint = false} : vector<512x512xbf16>, vector<512x1024xbf16>, vector<512x1024xf32> -> vector<512x1024xf32>
    %get3A_61 = arith.constant 0 : index
    %get3A_62 = arith.constant 0 : index
    %get3A_63 = arith.constant 0 : index
    %get3A_64 = vector.load %arg9[%get3A_61, %get3A_62, %get3A_63] : memref<1x1x1024xf32, #tpu.memory_space<vmem>>, vector<1x1x1024xf32>
    %get3A_65 = vector.shape_cast %get3A_64 : vector<1x1x1024xf32> to vector<1x1024xf32>
    %add3A_66 = vector.broadcast %get3A_65 : vector<1x1024xf32> to vector<512x1024xf32>
    %add3A_67 = arith.addf %dot_general3A_60, %add3A_66 : vector<512x1024xf32>
    %convert_element_type3A_68 = arith.truncf %add3A_67 : vector<512x1024xf32> to vector<512x1024xbf16>
    %convert_element_type3A_69 = arith.extf %convert_element_type3A_68 : vector<512x1024xbf16> to vector<512x1024xf32>
    %slice3A = vector.extract_strided_slice %convert_element_type3A_69 {offsets = [0, 0], sizes = [512, 512], strides = [1, 1]} : vector<512x1024xf32> to vector<512x512xf32>
    %bitcast_convert_type3A_70 = tpu.bitcast %slice3A : vector<512x512xf32> -> vector<512x512xi32>
    %shift_right_logical3A = arith.constant 16 : i32
    %shift_right_logical3A_71 = vector.broadcast %shift_right_logical3A : i32 to vector<512x512xi32>
    %shift_right_logical3A_72 = arith.shrui %bitcast_convert_type3A_70, %shift_right_logical3A_71 : vector<512x512xi32>
    %slice3A_73 = vector.extract_strided_slice %convert_element_type3A_69 {offsets = [0, 512], sizes = [512, 512], strides = [1, 1]} : vector<512x1024xf32> to vector<512x512xf32>
    %bitcast_convert_type3A_74 = tpu.bitcast %slice3A_73 : vector<512x512xf32> -> vector<512x512xi32>
    %and3A_75 = arith.constant -65536 : i32
    %and3A_76 = vector.broadcast %and3A_75 : i32 to vector<512x512xi32>
    %and3A_77 = arith.andi %bitcast_convert_type3A_74, %and3A_76 : vector<512x512xi32>
    %or3A = arith.ori %shift_right_logical3A_72, %and3A_77 : vector<512x512xi32>
    %bitcast_convert_type3A_78 = tpu.bitcast %or3A : vector<512x512xi32> -> vector<512x512xi32>
    %swap3A = arith.constant 0 : index
    %swap3A_79 = arith.constant 0 : index
    %swap3A_80 = vector.load %arg10[%swap3A, %swap3A_79] : memref<512x512xi32, #tpu.memory_space<vmem>>, vector<512x512xi32>
    tpu.vector_store %arg10[%swap3A, %swap3A_79], %bitcast_convert_type3A_78 {strides = array<i32>} : memref<512x512xi32, #tpu.memory_space<vmem>>, vector<512x512xi32>,
    return
  }
  func.func @transform_0(%arg0: i32, %arg1: memref<40xi32, #tpu.memory_space<smem>>) -> (i32, i32) {
    %c0_i32 = arith.constant 0 : i32
    %c0_i32_0 = arith.constant 0 : i32
    return %arg0, %c0_i32 : i32, i32
  }
  func.func @transform_1(%arg0: i32, %arg1: memref<40xi32, #tpu.memory_space<smem>>) -> (i32, i32, i32) {
    %get3A = arith.index_cast %arg0 : i32 to index
    %get3A_0 = memref.load %arg1[%get3A] : memref<40xi32, #tpu.memory_space<smem>>
    %c0_i32 = arith.constant 0 : i32
    %c0_i32_1 = arith.constant 0 : i32
    %c0_i32_2 = arith.constant 0 : i32
    return %get3A_0, %c0_i32, %c0_i32_1 : i32, i32, i32
  }
  func.func @transform_2(%arg0: i32, %arg1: memref<40xi32, #tpu.memory_space<smem>>) -> (i32, i32, i32) {
    %get3A = arith.index_cast %arg0 : i32 to index
    %get3A_0 = memref.load %arg1[%get3A] : memref<40xi32, #tpu.memory_space<smem>>
    %c1_i32 = arith.constant 1 : i32
    %c0_i32 = arith.constant 0 : i32
    %c0_i32_1 = arith.constant 0 : i32
    return %get3A_0, %c1_i32, %c0_i32 : i32, i32, i32
  }
  func.func @transform_3(%arg0: i32, %arg1: memref<40xi32, #tpu.memory_space<smem>>) -> (i32, i32, i32) {
    %get3A = arith.index_cast %arg0 : i32 to index
    %get3A_0 = memref.load %arg1[%get3A] : memref<40xi32, #tpu.memory_space<smem>>
    %c0_i32 = arith.constant 0 : i32
    %c0_i32_1 = arith.constant 0 : i32
    %c0_i32_2 = arith.constant 0 : i32
    return %get3A_0, %c0_i32, %c0_i32_1 : i32, i32, i32
  }
  func.func @transform_4(%arg0: i32, %arg1: memref<40xi32, #tpu.memory_space<smem>>) -> (i32, i32, i32) {
    %get3A = arith.index_cast %arg0 : i32 to index
    %get3A_0 = memref.load %arg1[%get3A] : memref<40xi32, #tpu.memory_space<smem>>
    %c0_i32 = arith.constant 0 : i32
    %c0_i32_1 = arith.constant 0 : i32
    %c0_i32_2 = arith.constant 0 : i32
    return %get3A_0, %c0_i32, %c0_i32_1 : i32, i32, i32
  }
  func.func @transform_5(%arg0: i32, %arg1: memref<40xi32, #tpu.memory_space<smem>>) -> (i32, i32, i32) {
    %get3A = arith.index_cast %arg0 : i32 to index
    %get3A_0 = memref.load %arg1[%get3A] : memref<40xi32, #tpu.memory_space<smem>>
    %c0_i32 = arith.constant 0 : i32
    %c0_i32_1 = arith.constant 0 : i32
    %c0_i32_2 = arith.constant 0 : i32
    return %get3A_0, %c0_i32, %c0_i32_1 : i32, i32, i32
  }
  func.func @transform_6(%arg0: i32, %arg1: memref<40xi32, #tpu.memory_space<smem>>) -> (i32, i32, i32) {
    %get3A = arith.index_cast %arg0 : i32 to index
    %get3A_0 = memref.load %arg1[%get3A] : memref<40xi32, #tpu.memory_space<smem>>
    %c0_i32 = arith.constant 0 : i32
    %c0_i32_1 = arith.constant 0 : i32
    %c0_i32_2 = arith.constant 0 : i32
    return %get3A_0, %c0_i32, %c0_i32_1 : i32, i32, i32
  }
  func.func @transform_7(%arg0: i32, %arg1: memref<40xi32, #tpu.memory_space<smem>>) -> (i32, i32, i32) {
    %get3A = arith.index_cast %arg0 : i32 to index
    %get3A_0 = memref.load %arg1[%get3A] : memref<40xi32, #tpu.memory_space<smem>>
    %c0_i32 = arith.constant 0 : i32
    %c0_i32_1 = arith.constant 0 : i32
    %c0_i32_2 = arith.constant 0 : i32
    return %get3A_0, %c0_i32, %c0_i32_1 : i32, i32, i32
  }
  func.func @transform_8(%arg0: i32, %arg1: memref<40xi32, #tpu.memory_space<smem>>) -> (i32, i32) {
    %c0_i32 = arith.constant 0 : i32
    %c0_i32_0 = arith.constant 0 : i32
    return %arg0, %c0_i32 : i32, i32
  }
}

module attributes {stable_mosaic.version = 14 : i64} {
  func.func @_add_kernel(%arg0: i32, %arg1: memref<1024x512xi32, #tpu.memory_space<vmem>>, %arg2: memref<1024x512xi32, #tpu.memory_space<vmem>>, %arg3: memref<1024x1xf32, #tpu.memory_space<vmem>>, %arg4: memref<1024x1xf32, #tpu.memory_space<vmem>>, %arg5: memref<1024x1024xf32, #tpu.memory_space<vmem>>) attributes {dimension_semantics = [#tpu.dimension_semantics<parallel>], iteration_bounds = array<i64: 8>, scalar_prefetch = 0 : i64, scratch_operands = 0 : i64, tpu.core_type = #tpu.core_type<tc>, window_params = [{transform_indices = @transform_0, window_bounds = array<i64: 1024, 512>}, {transform_indices = @transform_1, window_bounds = array<i64: 1024, 512>}, {transform_indices = @transform_2, window_bounds = array<i64: 1024, 1>}, {transform_indices = @transform_3, window_bounds = array<i64: 1024, 1>}, {transform_indices = @transform_4, window_bounds = array<i64: 1024, 1024>}]} {
    %get3A = arith.constant 0 : index
    %get3A_0 = arith.constant 0 : index
    %get3A_1 = vector.load %arg1[%get3A, %get3A_0] : memref<1024x512xi32, #tpu.memory_space<vmem>>, vector<1024x512xi32>
    %bitcast_convert_type3A = tpu.bitcast %get3A_1 : vector<1024x512xi32> -> vector<1024x512xi32>
    %shift_left3A = arith.constant 16 : i32
    %shift_left3A_2 = vector.broadcast %shift_left3A : i32 to vector<1024x512xi32>
    %shift_left3A_3 = arith.shli %bitcast_convert_type3A, %shift_left3A_2 : vector<1024x512xi32>
    %bitcast_convert_type3A_4 = tpu.bitcast %shift_left3A_3 : vector<1024x512xi32> -> vector<1024x512xf32>
    %and3A = arith.constant -65536 : i32
    %and3A_5 = vector.broadcast %and3A : i32 to vector<1024x512xi32>
    %and3A_6 = arith.andi %bitcast_convert_type3A, %and3A_5 : vector<1024x512xi32>
    %bitcast_convert_type3A_7 = tpu.bitcast %and3A_6 : vector<1024x512xi32> -> vector<1024x512xf32>
    %get3A_8 = arith.constant 0 : index
    %get3A_9 = arith.constant 0 : index
    %get3A_10 = vector.load %arg2[%get3A_8, %get3A_9] : memref<1024x512xi32, #tpu.memory_space<vmem>>, vector<1024x512xi32>
    %bitcast_convert_type3A_11 = tpu.bitcast %get3A_10 : vector<1024x512xi32> -> vector<1024x512xi32>
    %shift_left3A_12 = arith.constant 16 : i32
    %shift_left3A_13 = vector.broadcast %shift_left3A_12 : i32 to vector<1024x512xi32>
    %shift_left3A_14 = arith.shli %bitcast_convert_type3A_11, %shift_left3A_13 : vector<1024x512xi32>
    %bitcast_convert_type3A_15 = tpu.bitcast %shift_left3A_14 : vector<1024x512xi32> -> vector<1024x512xf32>
    %and3A_16 = arith.constant -65536 : i32
    %and3A_17 = vector.broadcast %and3A_16 : i32 to vector<1024x512xi32>
    %and3A_18 = arith.andi %bitcast_convert_type3A_11, %and3A_17 : vector<1024x512xi32>
    %bitcast_convert_type3A_19 = tpu.bitcast %and3A_18 : vector<1024x512xi32> -> vector<1024x512xf32>
    %get3A_20 = arith.constant 0 : index
    %get3A_21 = arith.constant 0 : index
    %get3A_22 = vector.load %arg3[%get3A_20, %get3A_21] : memref<1024x1xf32, #tpu.memory_space<vmem>>, vector<1024x1xf32>
    %get3A_23 = arith.constant 0 : index
    %get3A_24 = arith.constant 0 : index
    %get3A_25 = vector.load %arg4[%get3A_23, %get3A_24] : memref<1024x1xf32, #tpu.memory_space<vmem>>, vector<1024x1xf32>
    %mul3A = vector.broadcast %get3A_22 : vector<1024x1xf32> to vector<1024x512xf32>
    %mul3A_26 = arith.mulf %bitcast_convert_type3A_4, %mul3A : vector<1024x512xf32>
    %mul3A_27 = vector.broadcast %get3A_25 : vector<1024x1xf32> to vector<1024x512xf32>
    %mul3A_28 = arith.mulf %bitcast_convert_type3A_15, %mul3A_27 : vector<1024x512xf32>
    %add3A = arith.addf %mul3A_26, %mul3A_28 : vector<1024x512xf32>
    %swap3A = arith.constant 0 : index
    %swap3A_29 = arith.constant 0 : index
    %swap3A_30 = vector.load %arg5[%swap3A, %swap3A_29] : memref<1024x1024xf32, #tpu.memory_space<vmem>>, vector<1024x512xf32>
    tpu.vector_store %arg5[%swap3A, %swap3A_29], %add3A {strides = array<i32>} : memref<1024x1024xf32, #tpu.memory_space<vmem>>, vector<1024x512xf32>,
    %mul3A_31 = vector.broadcast %get3A_22 : vector<1024x1xf32> to vector<1024x512xf32>
    %mul3A_32 = arith.mulf %bitcast_convert_type3A_7, %mul3A_31 : vector<1024x512xf32>
    %mul3A_33 = vector.broadcast %get3A_25 : vector<1024x1xf32> to vector<1024x512xf32>
    %mul3A_34 = arith.mulf %bitcast_convert_type3A_19, %mul3A_33 : vector<1024x512xf32>
    %add3A_35 = arith.addf %mul3A_32, %mul3A_34 : vector<1024x512xf32>
    %swap3A_36 = arith.constant 0 : index
    %swap3A_37 = arith.constant 512 : index
    %swap3A_38 = vector.load %arg5[%swap3A_36, %swap3A_37] : memref<1024x1024xf32, #tpu.memory_space<vmem>>, vector<1024x512xf32>
    tpu.vector_store %arg5[%swap3A_36, %swap3A_37], %add3A_35 {strides = array<i32>} : memref<1024x1024xf32, #tpu.memory_space<vmem>>, vector<1024x512xf32>,
    return
  }
  func.func @transform_0(%arg0: i32) -> (i32, i32) {
    %c0_i32 = arith.constant 0 : i32
    %c0_i32_0 = arith.constant 0 : i32
    return %arg0, %c0_i32 : i32, i32
  }
  func.func @transform_1(%arg0: i32) -> (i32, i32) {
    %add3A = arith.constant 8 : i32
    %add3A_0 = arith.addi %arg0, %add3A : i32
    %c0_i32 = arith.constant 0 : i32
    %c0_i32_1 = arith.constant 0 : i32
    return %add3A_0, %c0_i32 : i32, i32
  }
  func.func @transform_2(%arg0: i32) -> (i32, i32) {
    %c0_i32 = arith.constant 0 : i32
    %c0_i32_0 = arith.constant 0 : i32
    return %arg0, %c0_i32 : i32, i32
  }
  func.func @transform_3(%arg0: i32) -> (i32, i32) {
    %c0_i32 = arith.constant 0 : i32
    %c0_i32_0 = arith.constant 0 : i32
    return %arg0, %c0_i32 : i32, i32
  }
  func.func @transform_4(%arg0: i32) -> (i32, i32) {
    %c0_i32 = arith.constant 0 : i32
    %c0_i32_0 = arith.constant 0 : i32
    return %arg0, %c0_i32 : i32, i32
  }
}

</mosaic_0001>

<sc_bundles>
// kernel: kernel.10.cloned.1.call-start
scs
__scs_entry_jumppad:
0x0: {  	(pc) =	sbr.rel $0x88, $3  }
0x1: {  	(tag) =	ssettag $0x0;
	lr =	simm.s32 $0x1  }
0x2: {  	[smem:$0x3F8C] =	sst lr;
	_ =	strace $0xD0000000  }
0x3: {  	_ = 	snop  }
0x4: {  	_ = 	snop  }
0x5: {  	_ = 	snop  }
0x6: {  	_ = 	snop  }
0x7: {  	_ = 	snop  }
__scs_overlays_trampoline_lowered:
0x8: {  	[smem:$0x3F9B] =	sst s0  }
0x9: {  	[smem:$0x3F9C] =	sst s1  }
0xa: {  	[smem:$0x3F9D] =	sst s2  }
0xb: {  	[smem:$0x3F9E] =	sst s3  }
0xc: {  	[smem:$0x3F9F] =	sst s4  }
0xd: {  	[smem:$0x3FA0] =	sst s5  }
0xe: {  	[smem:$0x3FA1] =	sst s6  }
0xf: {  	[smem:$0x3FA2] =	sst s7  }
0x10: {  	[smem:$0x3FA3] =	sst s8  }
0x11: {  	[smem:$0x3FA4] =	sst s9;
	s0 =	simm.s32 @!p0 $0x0  }
0x12: {  	s1 =	sld [smem:$0x3F8A];
	s0 =	simm.s32 @p0 $0x1  }
0x13: {  	[smem:$0x3FA5] =	sst s0;
	s0 =	simm.s32 @!p1 $0x0  }
0x14: {  	s2 =	sld [smem:$0x3F89];
	s0 =	simm.s32 @p1 $0x1  }
0x15: {  	[smem:$0x3FA6] =	sst s0;
	s0 =	simm.s32 @!p2 $0x0  }
0x16: {  	s3 =	sld [smem:$0x3FDB];
	s0 =	simm.s32 @p2 $0x1  }
0x17: {  	s4 =	simm.s32 $0x1BF5;
	[smem:$0x3FA8] =	sst s0  }
0x18: {  	s0 =	sld [smem:$0x3F8B];
	_ =	swait.ge [sflag:s4], $0x0  }
0x19: {  	s7 =	sld [smem:$0x3F8C]  }
0x1a: {  	s8 =	sadd.s32 $0xFFFFE003, lr  }
0x1b: {  	s9 =	sadd.s32 $0xFFFFFEF7, lr;
	s5 =	simm.s32 $0xFFFFFFFF;
	p2 =	slt.u32 s8, $0xFFFFF086  }
0x1c: {  	p1 =	slt.u32 s9, $0xF7A;
	s5 =	simm.s32 @!p2 $0x0  }
0x1d: {  	s5 =	simm.s32 @p1 $0x1;
	p0 =	seq.s32 s7, s2  }
0x1e: {  	s7 =	smul.u32 @!p0 $0xF7A, s2;
	p2 =	seq.s32 @!p0 s5, $0x0  }
0x1f: {  	s9 =	smul.u32 $0xF7A, s1;
	s8 =	simm.s32 @!p0 $0x1BF5;
	p2 =	por !p2, p0  }
0x20: {  	[sflag:s8] =	ssyncset.s32 @!p0 $0xFFFFF086;
	s6 =	sadd.s32 @!p0 s3, s7;
	s7 =	simm.s32 @!p0 $0x108  }
0x21: {  	s3 =	sadd.s32 s3, s9;
	s6 =	sadd.s32 @!p0 $0x88, s6;
	s7 =	simm.s32 @p2 $0x1082  }
0x22: {  	[simem:s7], [sflag:s8] =	dma.local @!p0 [hbm:s6], $0xF7A  }
0x23: {  	s9 =	sor.u32 $0xD0000000, s2;
	s6 =	simm.s32 $0x108;
	_ =	swait.ge @!p0 [sflag:s8], $0x0  }
0x24: {  	s3 =	sadd.s32 $0x88, s3;
	s6 =	simm.s32 @!p1 $0x1082;
	[sflag:s4] =	ssyncset.s32 $0xFFFFF086  }
0x25: {  	[simem:s6], [sflag:s4] =	dma.local [hbm:s3], $0xF7A  }
0x26: {  	[smem:$0x3F8C] =	sst s1;
	(tag) =	ssettag s2;
	_ =	strace s9  }
0x27: {  	s1 =	sld [smem:$0x3F9C]  }
0x28: {  	s2 =	sld [smem:$0x3F9D]  }
0x29: {  	s4 =	sld [smem:$0x3F9F]  }
0x2a: {  	p0 =	seq.s32 s5, $0x0;
	s5 =	sld [smem:$0x3FA0]  }
0x2b: {  	s6 =	sld [smem:$0x3FA1]  }
0x2c: {  	s7 =	sld [smem:$0x3FA2]  }
0x2d: {  	s3 =	simm.s32 $0x108;
	s8 =	sld [smem:$0x3FA3]  }
0x2e: {  	s3 =	simm.s32 @!p0 $0x1082;
	s9 =	sld [smem:$0x3FA4]  }
0x2f: {  	lr =	sadd.s32 s0, s3;
	s0 =	sld [smem:$0x3F9B]  }
0x30: {  	s3 =	sld [smem:$0x3F9E]  }
0x31: {  	[smem:$0x3FA7] =	sst s10  }
0x32: {  	s10 =	sld [smem:$0x3FA5];
	_ =	sdelay $0x3  }
0x33: {  	p0 =	seq.s32 s10, $0x1;
	s10 =	sld [smem:$0x3FA7];
	_ =	sdelay $0x3  }
0x34: {  	[smem:$0x3FA7] =	sst s10  }
0x35: {  	s10 =	sld [smem:$0x3FA6];
	_ =	sdelay $0x3  }
0x36: {  	p1 =	seq.s32 s10, $0x1;
	s10 =	sld [smem:$0x3FA7];
	_ =	sdelay $0x3  }
0x37: {  	[smem:$0x3FA7] =	sst s10  }
0x38: {  	s10 =	sld [smem:$0x3FA8]  }
0x39: {  	_ = 	snop;
	(pc) =	sbr.ind lr, $3  }
0x3a: {  	_ = 	snop  }
0x3b: {  	_ = 	snop  }
0x3c: {  	p2 =	seq.s32 s10, $0x1;
	s10 =	sld [smem:$0x3FA7]  }
0x3d: {  	_ =	shalt  }
0x3e: {  	_ =	shalt  }
0x3f: {  	_ =	shalt  }
0x40: {  	_ =	shalt  }
0x41: {  	_ =	shalt  }
0x42: {  	_ =	shalt  }
0x43: {  	_ =	shalt  }
0x44: {  	_ =	shalt  }
0x45: {  	_ =	shalt  }
0x46: {  	_ =	shalt  }
0x47: {  	_ =	shalt  }
0x48: {  	_ =	shalt  }
0x49: {  	_ =	shalt  }
0x4a: {  	_ =	shalt  }
0x4b: {  	_ =	shalt  }
0x4c: {  	_ =	shalt  }
0x4d: {  	_ =	shalt  }
0x4e: {  	_ =	shalt  }
0x4f: {  	_ =	shalt  }
0x50: {  	_ =	shalt  }
0x51: {  	_ =	shalt  }
0x52: {  	_ =	shalt  }
0x53: {  	_ =	shalt  }
0x54: {  	_ =	shalt  }
0x55: {  	_ =	shalt  }
0x56: {  	_ =	shalt  }
0x57: {  	_ =	shalt  }
0x58: {  	_ =	shalt  }
0x59: {  	_ =	shalt  }
0x5a: {  	_ =	shalt  }
0x5b: {  	_ =	shalt  }
0x5c: {  	_ =	shalt  }
0x5d: {  	_ =	shalt  }
0x5e: {  	_ =	shalt  }
0x5f: {  	_ =	shalt  }
0x60: {  	_ =	shalt  }
0x61: {  	_ =	shalt  }
0x62: {  	_ =	shalt  }
0x63: {  	_ =	shalt  }
0x64: {  	_ =	shalt  }
0x65: {  	_ =	shalt  }
0x66: {  	_ =	shalt  }
0x67: {  	_ =	shalt  }
0x68: {  	_ =	shalt  }
0x69: {  	_ =	shalt  }
0x6a: {  	_ =	shalt  }
0x6b: {  	_ =	shalt  }
0x6c: {  	_ =	shalt  }
0x6d: {  	_ =	shalt  }
0x6e: {  	_ =	shalt  }
0x6f: {  	_ =	shalt  }
0x70: {  	_ =	shalt  }
0x71: {  	_ =	shalt  }
0x72: {  	_ =	shalt  }
0x73: {  	_ =	shalt  }
0x74: {  	_ =	shalt  }
0x75: {  	_ =	shalt  }
0x76: {  	_ =	shalt  }
0x77: {  	_ =	shalt  }
0x78: {  	_ =	shalt  }
0x79: {  	_ =	shalt  }
0x7a: {  	_ =	shalt  }
0x7b: {  	_ =	shalt  }
0x7c: {  	_ =	shalt  }
0x7d: {  	_ =	shalt  }
0x7e: {  	_ =	shalt  }
0x7f: {  	_ =	shalt  }
0x80: {  	_ =	shalt  }
0x81: {  	_ =	shalt  }
0x82: {  	_ =	shalt  }
0x83: {  	_ =	shalt  }
0x84: {  	_ =	shalt  }
0x85: {  	_ =	shalt  }
0x86: {  	_ =	shalt  }
0x87: {  	_ =	shalt  }
.Lfunc_end0:
.L_simem_size_0:
called_computation.1_lowered:
.L_overlay_start_0:
0x88: {  	s2 =	sld [smem:$0x3FD9]  }
0x89: {  	s3 =	sld [smem:$0x3FFE];
	_ =	sdelay $0x1  }
0x8a: {  	s1 =	srdreg.scid  }
0x8b: {  	s0 =	sand.u32 $0x1, s1  }
0x8c: {  	s16 =	sshll.u32 s0, $0xA;
	s2 =	sadd.s32 s3, s2  }
0x8d: {  	s2 =	sadd.s32 s2, s16  }
0x8e: {  	[smem:$0x3FB3] =	sst s2  }
0x8f: {  	_ = 	snop  }
0x90: {  	(tm) =	ssettm $0x1  }
0x91: {  	s17 =	sld [smem:$0x3FFB];
	_ =	sdelay $0x3  }
0x92: {  	_ =	strace s17  }
0x93: {  	s2 =	sld [smem:$0x3FFC];
	_ =	sdelay $0x3  }
0x94: {  	_ =	strace s2  }
0x95: {  	s2 =	sld [smem:$0x3FFD];
	_ =	sdelay $0x3  }
0x96: {  	_ =	strace s2  }
0x97: {  	_ =	strace $0x8FFFFFFF  }
0x98: {  	s18 =	sld [smem:$0x3FDB];
	_ =	sdelay $0x1  }
0x99: {  	s19 =	simm.s32 $_scs_section_size  }
0x9a: {  	s4 =	simm.s32 $_size__tile_overlayer_lowered;
	s5 =	simm.s32 $_tile_overlayer_lowered  }
0x9b: {  	s22 =	simm.s32 $0x1BFF;
	s21 =	sshll.u32 s5, $0x1;
	s2 =	sadd.s32 s19, s18  }
0x9c: {  	s6 =	simm.s32 $0x0;
	s20 =	sshll.u32 s4, $0x1;
	s4 =	sadd.s32 s21, s2  }
0x9d: {  	[timem:s6], [sflag:s22] =	dma.local [hbm:s4], s20  }
0x9e: {  	_ =	swait.ge [sflag:s22], s20  }
0x9f: {  	s3 =	ssub.s32 $0x0, s20;
	[sflag:s22] =	ssyncset.done $0x0  }
0xa0: {  	[sflag:s22] =	ssyncadd.s32 s3;
	_ =	sdelay $0x1  }
0xa1: {  	s23 =	simm.s32 $0x1B8B  }
0xa2: {  	_ =	swait.ge [sflag:s23], $0x1  }
0xa3: {  	[sflag:s23] =	ssyncset.done $0x0  }
0xa4: {  	s25 =	simm.s32 $0x1B8E;
	s24 =	sld [smem:$0x3FFE];
	[sflag:s23] =	ssyncadd.s32 $0xFFFFFFFF  }
0xa5: {  	s26 =	simm.s32 $execute0_lowered;
	[smem:$0x3FD2] =	sst s25  }
0xa6: {  	s4 =	sshll.u32 s26, $0x1;
	_ =	strace $0x80000049;
	[dreg:$0x1] =	wrdreg $0xFFFFFFFF  }
0xa7: {  	s28 =	simm.s32 $_size_execute0_lowered;
	s2 =	sadd.s32 s2, s4;
	[dreg:$0x0] =	wrdreg $0x0  }
0xa8: {  	s4 =	sshll.u32 s28, $0x1;
	[dreg:$0x2] =	wrdreg s2  }
0xa9: {  	[dreg:$0x3] =	wrdreg s4  }
0xaa: {  	[dreg:$0x4] =	wrdreg $0xC0  }
0xab: {  	_ =	task [dreg:s6], $0x5FFFF  }
0xac: {  	[dreg:$0x1] =	wrdreg $0xFFFFFFFF  }
0xad: {  	[dreg:$0x0] =	wrdreg $0x60  }
0xae: {  	[dreg:$0x2] =	wrdreg s24  }
0xaf: {  	[dreg:$0x3] =	wrdreg $0x9  }
0xb0: {  	_ =	task.clear_ibuf [dreg:s6], $0x4FFFF;
	_ =	strace $0x90000049  }
0xb1: {  	s29 =	simm.s32 $0x9;
	_ =	strace $0x8000004B  }
0xb2: {  	_ =	swait.ge [sflag:s29], $0x1  }
0xb3: {  	[sflag:s29] =	ssyncadd.s32 $0xFFFFFFFF  }
0xb4: {  	_ =	strace $0x9000004B  }
0xb5: {  	_ =	sfence  }
0xb6: {  	s30 =	sld [smem:$0x0];
	_ =	sdelay $0x2  }
0xb7: {  	s31 =	sshll.u32 s1, $0xD;
	s1 =	sshrl.u32 s1, $0x2  }
0xb8: {  	s3 =	sand.u32 $0x4000, s31;
	s1 =	sadd.s32 s1, s30  }
0xb9: {  	s0 =	sor.u32 s3, s0;
	s1 =	sshll.u32 s1, $0x11  }
0xba: {  	s0 =	sor.u32 s1, s0  }
0xbb: {  	s0 =	sadd.s32 $0x8F2B, s0  }
0xbc: {  	[sflag:s0] =	ssyncadd.remote.s32 $0x1  }
0xbd: {  	_ =	sfence.sel $0xFFFF  }
0xbe: {  	[dreg:$0x0] =	wrdreg $0xFFFFFFFF;
	(pc) =	sbr.abs _section_cstart, $3  }
0xbf: {  	[dreg:$0x1] =	wrdreg $0xFFFFFFFF  }
0xc0: {  	_ =	task.clear_ibuf [dreg:s6], $0x2FFFF;
	_ =	strace $0x9FFFFFFF  }
0xc1: {  	(tm) =	ssettm $0x7FFFFFFF  }
tec
execute0_lowered:
.L_overlay_start_1:
0x0: {  	(tag) =	ssettag $0x1  }
0x1: {  	s0 =	srdreg.scid  }
0x2: {  	s1 =	stileid.u32;
	s0 =	sand.u32 $0x1, s0  }
0x3: {  	s1 =	sshll.u32 s1, $0xA;
	s2 =	sshll.u32 s0, $0x9  }
0x4: {  	s4 =	rddreg [dreg:$0x0];
	s1 =	sor.u32 s2, s1  }
0x5: {  	s29 =	simm.s32 $0x200;
	s23 =	simm.s32 $0x8200;
	s3 =	sshrl.u32 s1, $0x3  }
0x6: {  	s2 =	simm.s32 $0x0;
	s1 =	sshll.u32 s1, $0x6;
	s3 =	sadd.s32 s3, s4  }
0x7: {  	[smem:$0x7FF] =	sst s2;
	s1 =	sadd.s32 s1, s4;
	s3 =	sadd.s32 $0xA0800, s3  }
0x8: {  	_ =	strace $0x8000004A;
	s24 =	sadd.s32 $0xA1000, s1;
	[dreg:$0x2] =	wrdreg s3  }
0x9: {  	s14 =	simm.s32 $0x1;
	s25 =	sadd.s32 $0xA2000, s1;
	[dreg:$0x3] =	wrdreg s24  }
0xa: {  	s15 =	simm.s32 $0x2;
	s26 =	sadd.s32 $0xA3000, s1;
	[dreg:$0x4] =	wrdreg s25  }
0xb: {  	s0 =	ssub.s32 $0x2, s0;
	s28 =	sadd.s32 $0xA4000, s1;
	[dreg:$0x5] =	wrdreg s26  }
0xc: {  	s6 =	sshrl.u32 s0, $0x1;
	s5 =	sadd.s32 $0xA5000, s1;
	[dreg:$0x6] =	wrdreg s28  }
0xd: {  	s0 =	ssub.s32 s0, s6;
	s30 =	sadd.s32 $0xA6000, s1;
	[dreg:$0x7] =	wrdreg s5  }
0xe: {  	v2 =	vlaneseq.u32;
	s6 =	simm.s32 $0x3;
	s31 =	sadd.s32 $0xA7000, s1;
	[dreg:$0x8] =	wrdreg s30  }
0xf: {  	vm0 =	vmmov $0xffff;
	v1 =	vshrl.u32 v2, $0x3;
	s1 =	sadd.s32 $0xA8000, s1;
	s3 =	sadd.s32 $0x1E1000, s4;
	[dreg:$0x9] =	wrdreg s31  }
0x10: {  	v0 =	vand.u32 $0x7, v2;
	v2 =	vor.u32 $0x8, v2;
	v1 =	vmul.u32 $0x8, v1;
	s4 =	sadd.s32 $0x1E1100, s4;
	[dreg:$0xa] =	wrdreg s1;
	s5 =	smax.u32 s0, $0x1  }
.LBB2_1:
0x11: {  	s16 =	rddreg [dreg:$0x2]  }
0x12: {  	[tilespmem:s2], [sflag:$0x3] =	stream.linear.gather [hbm4b:s16+s2], $0x200, $0x38;
	[tilespmem:$0x10200] =	vst v63  }
0x13: {  	_ =	swait.ge [sflag:s6], $0x200  }
0x14: {  	[sflag:s6] =	ssyncset.done $0x0  }
0x15: {  	[sflag:s6] =	ssyncadd.s32 $0xFFFFFE00  }
0x16: {  	v3 =	vld [tilespmem:$0x0];
	_ =	sdelay $0x4  }
0x17: {  	v4 =	vshll.u32 v3, $0x2  }
0x18: {  	v3 =	vand.u32 $0x7, v3;
	v4 =	vand.u32 $0xFFFFFFE0, v4  }
0x19: {  	v3 =	vor.u32 v3, v4  }
0x1a: {  	v4 =	vperm.xlane v3, v0;
	_ =	sdelay $0x1  }
0x1b: {  	v4 =	vadd.s32 v1, v4;
	_ =	sdelay $0x1  }
0x1c: {  	v3 =	vperm.xlane v3, v2;
	_ =	sdelay $0x1  }
0x1d: {  	v3 =	vadd.s32 v1, v3  }
0x1e: {  	[tilespmem:s29], [sflag:$0x1] =	stream.indirect_vreg.gather [hbm4b:s3+s2], $0x80, v4, vm0, $0xb8;
	[tilespmem:$0x10200] =	vst v63  }
0x1f: {  	s0 =	simm.s32 $0xA00  }
0x20: {  	[tilespmem:s0], [sflag:$0x1] =	stream.indirect_vreg.gather [hbm4b:s4+s2], $0x80, v4, vm0, $0xb8;
	[tilespmem:$0x10200] =	vst v63  }
0x21: {  	s22 =	simm.s32 $0x1200  }
0x22: {  	[tilespmem:s22], [sflag:$0x1] =	stream.indirect_vreg.gather [hbm4b:s3+s2], $0x80, v3, vm0, $0xb8;
	[tilespmem:$0x10200] =	vst v63  }
0x23: {  	s24 =	simm.s32 $0x1A00  }
0x24: {  	[tilespmem:s24], [sflag:$0x1] =	stream.indirect_vreg.gather [hbm4b:s4+s2], $0x80, v3, vm0, $0xb8;
	[tilespmem:$0x10200] =	vst v63  }
0x25: {  	v3 =	vld [tilespmem:$0x10];
	_ =	sdelay $0x4  }
0x26: {  	v33 =	vshll.u32 v3, $0x2  }
0x27: {  	v3 =	vand.u32 $0x7, v3;
	v4 =	vand.u32 $0xFFFFFFE0, v33  }
0x28: {  	v3 =	vor.u32 v3, v4  }
0x29: {  	v4 =	vperm.xlane v3, v0;
	_ =	sdelay $0x1  }
0x2a: {  	v4 =	vadd.s32 v1, v4;
	_ =	sdelay $0x1  }
0x2b: {  	v3 =	vperm.xlane v3, v2;
	_ =	sdelay $0x1  }
0x2c: {  	s25 =	simm.s32 $0x2200;
	v3 =	vadd.s32 v1, v3  }
0x2d: {  	[tilespmem:s25], [sflag:$0x1] =	stream.indirect_vreg.gather [hbm4b:s3+s2], $0x80, v4, vm0, $0xb8;
	[tilespmem:$0x10200] =	vst v63  }
0x2e: {  	s26 =	simm.s32 $0x2A00  }
0x2f: {  	[tilespmem:s26], [sflag:$0x1] =	stream.indirect_vreg.gather [hbm4b:s4+s2], $0x80, v4, vm0, $0xb8;
	[tilespmem:$0x10200] =	vst v63  }
0x30: {  	s28 =	simm.s32 $0x3200  }
0x31: {  	[tilespmem:s28], [sflag:$0x1] =	stream.indirect_vreg.gather [hbm4b:s3+s2], $0x80, v3, vm0, $0xb8;
	[tilespmem:$0x10200] =	vst v63  }
0x32: {  	s30 =	simm.s32 $0x3A00  }
0x33: {  	[tilespmem:s30], [sflag:$0x1] =	stream.indirect_vreg.gather [hbm4b:s4+s2], $0x80, v3, vm0, $0xb8;
	[tilespmem:$0x10200] =	vst v63  }
0x34: {  	v3 =	vld [tilespmem:$0x20];
	_ =	sdelay $0x4  }
0x35: {  	v34 =	vshll.u32 v3, $0x2  }
0x36: {  	v3 =	vand.u32 $0x7, v3;
	v4 =	vand.u32 $0xFFFFFFE0, v34  }
0x37: {  	v3 =	vor.u32 v3, v4  }
0x38: {  	v4 =	vperm.xlane v3, v0;
	_ =	sdelay $0x1  }
0x39: {  	v4 =	vadd.s32 v1, v4;
	_ =	sdelay $0x1  }
0x3a: {  	v3 =	vperm.xlane v3, v2;
	_ =	sdelay $0x1  }
0x3b: {  	s31 =	simm.s32 $0x4200;
	v3 =	vadd.s32 v1, v3  }
0x3c: {  	[tilespmem:s31], [sflag:$0x1] =	stream.indirect_vreg.gather [hbm4b:s3+s2], $0x80, v4, vm0, $0xb8;
	[tilespmem:$0x10200] =	vst v63  }
0x3d: {  	s7 =	simm.s32 $0x4A00  }
0x3e: {  	[tilespmem:s7], [sflag:$0x1] =	stream.indirect_vreg.gather [hbm4b:s4+s2], $0x80, v4, vm0, $0xb8;
	[tilespmem:$0x10200] =	vst v63  }
0x3f: {  	s10 =	simm.s32 $0x5200  }
0x40: {  	[tilespmem:s10], [sflag:$0x1] =	stream.indirect_vreg.gather [hbm4b:s3+s2], $0x80, v3, vm0, $0xb8;
	[tilespmem:$0x10200] =	vst v63  }
0x41: {  	s11 =	simm.s32 $0x5A00  }
0x42: {  	[tilespmem:s11], [sflag:$0x1] =	stream.indirect_vreg.gather [hbm4b:s4+s2], $0x80, v3, vm0, $0xb8;
	[tilespmem:$0x10200] =	vst v63  }
0x43: {  	v3 =	vld [tilespmem:$0x30];
	_ =	sdelay $0x4  }
0x44: {  	v35 =	vshll.u32 v3, $0x2  }
0x45: {  	v3 =	vand.u32 $0x7, v3;
	v4 =	vand.u32 $0xFFFFFFE0, v35  }
0x46: {  	v3 =	vor.u32 v3, v4  }
0x47: {  	v4 =	vperm.xlane v3, v0;
	_ =	sdelay $0x1  }
0x48: {  	v4 =	vadd.s32 v1, v4;
	_ =	sdelay $0x1  }
0x49: {  	v3 =	vperm.xlane v3, v2;
	_ =	sdelay $0x1  }
0x4a: {  	s16 =	simm.s32 $0x6200;
	v3 =	vadd.s32 v1, v3  }
0x4b: {  	[tilespmem:s16], [sflag:$0x1] =	stream.indirect_vreg.gather [hbm4b:s3+s2], $0x80, v4, vm0, $0xb8;
	[tilespmem:$0x10200] =	vst v63  }
0x4c: {  	s17 =	simm.s32 $0x6A00  }
0x4d: {  	[tilespmem:s17], [sflag:$0x1] =	stream.indirect_vreg.gather [hbm4b:s4+s2], $0x80, v4, vm0, $0xb8;
	[tilespmem:$0x10200] =	vst v63  }
0x4e: {  	s19 =	simm.s32 $0x7200  }
0x4f: {  	[tilespmem:s19], [sflag:$0x1] =	stream.indirect_vreg.gather [hbm4b:s3+s2], $0x80, v3, vm0, $0xb8;
	[tilespmem:$0x10200] =	vst v63  }
0x50: {  	s20 =	simm.s32 $0x7A00  }
0x51: {  	[tilespmem:s20], [sflag:$0x1] =	stream.indirect_vreg.gather [hbm4b:s4+s2], $0x80, v3, vm0, $0xb8;
	[tilespmem:$0x10200] =	vst v63  }
0x52: {  	v3 =	vld [tilespmem:$0x40];
	_ =	sdelay $0x4  }
0x53: {  	v36 =	vshll.u32 v3, $0x2  }
0x54: {  	v3 =	vand.u32 $0x7, v3;
	v4 =	vand.u32 $0xFFFFFFE0, v36  }
0x55: {  	v3 =	vor.u32 v3, v4  }
0x56: {  	v4 =	vperm.xlane v3, v0;
	_ =	sdelay $0x1  }
0x57: {  	v4 =	vadd.s32 v1, v4;
	_ =	sdelay $0x1  }
0x58: {  	v3 =	vperm.xlane v3, v2;
	_ =	sdelay $0x1  }
0x59: {  	v3 =	vadd.s32 v1, v3  }
0x5a: {  	[tilespmem:s23], [sflag:$0x2] =	stream.indirect_vreg.gather [hbm4b:s3+s2], $0x80, v4, vm0, $0xb8;
	[tilespmem:$0x10200] =	vst v63  }
0x5b: {  	s21 =	simm.s32 $0x8A00  }
0x5c: {  	[tilespmem:s21], [sflag:$0x2] =	stream.indirect_vreg.gather [hbm4b:s4+s2], $0x80, v4, vm0, $0xb8;
	[tilespmem:$0x10200] =	vst v63  }
0x5d: {  	s22 =	simm.s32 $0x9200  }
0x5e: {  	[tilespmem:s22], [sflag:$0x2] =	stream.indirect_vreg.gather [hbm4b:s3+s2], $0x80, v3, vm0, $0xb8;
	[tilespmem:$0x10200] =	vst v63  }
0x5f: {  	s24 =	simm.s32 $0x9A00  }
0x60: {  	[tilespmem:s24], [sflag:$0x2] =	stream.indirect_vreg.gather [hbm4b:s4+s2], $0x80, v3, vm0, $0xb8;
	[tilespmem:$0x10200] =	vst v63  }
0x61: {  	v3 =	vld [tilespmem:$0x50];
	_ =	sdelay $0x4  }
0x62: {  	v37 =	vshll.u32 v3, $0x2  }
0x63: {  	v3 =	vand.u32 $0x7, v3;
	v4 =	vand.u32 $0xFFFFFFE0, v37  }
0x64: {  	v3 =	vor.u32 v3, v4  }
0x65: {  	v4 =	vperm.xlane v3, v0;
	_ =	sdelay $0x1  }
0x66: {  	v4 =	vadd.s32 v1, v4;
	_ =	sdelay $0x1  }
0x67: {  	v3 =	vperm.xlane v3, v2;
	_ =	sdelay $0x1  }
0x68: {  	s25 =	simm.s32 $0xA200;
	v3 =	vadd.s32 v1, v3  }
0x69: {  	[tilespmem:s25], [sflag:$0x2] =	stream.indirect_vreg.gather [hbm4b:s3+s2], $0x80, v4, vm0, $0xb8;
	[tilespmem:$0x10200] =	vst v63  }
0x6a: {  	s26 =	simm.s32 $0xAA00  }
0x6b: {  	[tilespmem:s26], [sflag:$0x2] =	stream.indirect_vreg.gather [hbm4b:s4+s2], $0x80, v4, vm0, $0xb8;
	[tilespmem:$0x10200] =	vst v63  }
0x6c: {  	s28 =	simm.s32 $0xB200  }
0x6d: {  	[tilespmem:s28], [sflag:$0x2] =	stream.indirect_vreg.gather [hbm4b:s3+s2], $0x80, v3, vm0, $0xb8;
	[tilespmem:$0x10200] =	vst v63  }
0x6e: {  	s30 =	simm.s32 $0xBA00  }
0x6f: {  	[tilespmem:s30], [sflag:$0x2] =	stream.indirect_vreg.gather [hbm4b:s4+s2], $0x80, v3, vm0, $0xb8;
	[tilespmem:$0x10200] =	vst v63  }
0x70: {  	v3 =	vld [tilespmem:$0x60];
	_ =	sdelay $0x4  }
0x71: {  	v38 =	vshll.u32 v3, $0x2  }
0x72: {  	v3 =	vand.u32 $0x7, v3;
	v4 =	vand.u32 $0xFFFFFFE0, v38  }
0x73: {  	v3 =	vor.u32 v3, v4  }
0x74: {  	v4 =	vperm.xlane v3, v0;
	_ =	sdelay $0x1  }
0x75: {  	v4 =	vadd.s32 v1, v4;
	_ =	sdelay $0x1  }
0x76: {  	v3 =	vperm.xlane v3, v2;
	_ =	sdelay $0x1  }
0x77: {  	s31 =	simm.s32 $0xC200;
	v3 =	vadd.s32 v1, v3  }
0x78: {  	[tilespmem:s31], [sflag:$0x2] =	stream.indirect_vreg.gather [hbm4b:s3+s2], $0x80, v4, vm0, $0xb8;
	[tilespmem:$0x10200] =	vst v63  }
0x79: {  	s0 =	simm.s32 $0xCA00  }
0x7a: {  	[tilespmem:s0], [sflag:$0x2] =	stream.indirect_vreg.gather [hbm4b:s4+s2], $0x80, v4, vm0, $0xb8;
	[tilespmem:$0x10200] =	vst v63  }
0x7b: {  	s10 =	simm.s32 $0xD200  }
0x7c: {  	[tilespmem:s10], [sflag:$0x2] =	stream.indirect_vreg.gather [hbm4b:s3+s2], $0x80, v3, vm0, $0xb8;
	[tilespmem:$0x10200] =	vst v63  }
0x7d: {  	s11 =	simm.s32 $0xDA00  }
0x7e: {  	[tilespmem:s11], [sflag:$0x2] =	stream.indirect_vreg.gather [hbm4b:s4+s2], $0x80, v3, vm0, $0xb8;
	[tilespmem:$0x10200] =	vst v63  }
0x7f: {  	v3 =	vld [tilespmem:$0x70];
	_ =	sdelay $0x4  }
0x80: {  	v39 =	vshll.u32 v3, $0x2  }
0x81: {  	v3 =	vand.u32 $0x7, v3;
	v4 =	vand.u32 $0xFFFFFFE0, v39  }
0x82: {  	v3 =	vor.u32 v3, v4  }
0x83: {  	v4 =	vperm.xlane v3, v0;
	_ =	sdelay $0x1  }
0x84: {  	v4 =	vadd.s32 v1, v4;
	_ =	sdelay $0x1  }
0x85: {  	v3 =	vperm.xlane v3, v2;
	_ =	sdelay $0x1  }
0x86: {  	s17 =	simm.s32 $0xE200;
	v3 =	vadd.s32 v1, v3  }
0x87: {  	[tilespmem:s17], [sflag:$0x2] =	stream.indirect_vreg.gather [hbm4b:s3+s2], $0x80, v4, vm0, $0xb8;
	[tilespmem:$0x10200] =	vst v63  }
0x88: {  	s19 =	simm.s32 $0xEA00  }
0x89: {  	[tilespmem:s19], [sflag:$0x2] =	stream.indirect_vreg.gather [hbm4b:s4+s2], $0x80, v4, vm0, $0xb8;
	[tilespmem:$0x10200] =	vst v63  }
0x8a: {  	s20 =	simm.s32 $0xF200  }
0x8b: {  	[tilespmem:s20], [sflag:$0x2] =	stream.indirect_vreg.gather [hbm4b:s3+s2], $0x80, v3, vm0, $0xb8;
	[tilespmem:$0x10200] =	vst v63  }
0x8c: {  	s21 =	simm.s32 $0xFA00  }
0x8d: {  	[tilespmem:s21], [sflag:$0x2] =	stream.indirect_vreg.gather [hbm4b:s4+s2], $0x80, v3, vm0, $0xb8;
	[tilespmem:$0x10200] =	vst v63  }
0x8e: {  	_ =	swait.ge [sflag:s14], $0x8000  }
0x8f: {  	[sflag:s14] =	ssyncset.done $0x0  }
0x90: {  	s0 =	rddreg [dreg:$0x3];
	[sflag:s14] =	ssyncadd.s32 $0xFFFF8000  }
0x91: {  	[hbm4b:s0+s2] =	stream.linear.scatter [tilespmem:s29], [sflag:$0x3], $0x8000, $0x38;
	[tilespmem:$0x10200] =	vst v63  }
0x92: {  	_ =	swait.ge [sflag:s6], $0x8000  }
0x93: {  	[sflag:s6] =	ssyncset.done $0x0  }
0x94: {  	[sflag:s6] =	ssyncadd.s32 $0xFFFF8000  }
0x95: {  	v3 =	vld [tilespmem:$0x80];
	_ =	sdelay $0x4  }
0x96: {  	v40 =	vshll.u32 v3, $0x2  }
0x97: {  	v3 =	vand.u32 $0x7, v3;
	v4 =	vand.u32 $0xFFFFFFE0, v40  }
0x98: {  	v3 =	vor.u32 v3, v4  }
0x99: {  	v4 =	vperm.xlane v3, v0;
	_ =	sdelay $0x1  }
0x9a: {  	v4 =	vadd.s32 v1, v4;
	_ =	sdelay $0x1  }
0x9b: {  	v3 =	vperm.xlane v3, v2;
	_ =	sdelay $0x1  }
0x9c: {  	v3 =	vadd.s32 v1, v3  }
0x9d: {  	[tilespmem:s29], [sflag:$0x1] =	stream.indirect_vreg.gather [hbm4b:s3+s2], $0x80, v4, vm0, $0xb8;
	[tilespmem:$0x10200] =	vst v63  }
0x9e: {  	s1 =	simm.s32 $0xA00  }
0x9f: {  	[tilespmem:s1], [sflag:$0x1] =	stream.indirect_vreg.gather [hbm4b:s4+s2], $0x80, v4, vm0, $0xb8;
	[tilespmem:$0x10200] =	vst v63  }
0xa0: {  	s8 =	simm.s32 $0x1200  }
0xa1: {  	[tilespmem:s8], [sflag:$0x1] =	stream.indirect_vreg.gather [hbm4b:s3+s2], $0x80, v3, vm0, $0xb8;
	[tilespmem:$0x10200] =	vst v63  }
0xa2: {  	s9 =	simm.s32 $0x1A00  }
0xa3: {  	[tilespmem:s9], [sflag:$0x1] =	stream.indirect_vreg.gather [hbm4b:s4+s2], $0x80, v3, vm0, $0xb8;
	[tilespmem:$0x10200] =	vst v63  }
0xa4: {  	v3 =	vld [tilespmem:$0x90];
	_ =	sdelay $0x4  }
0xa5: {  	v41 =	vshll.u32 v3, $0x2  }
0xa6: {  	v3 =	vand.u32 $0x7, v3;
	v4 =	vand.u32 $0xFFFFFFE0, v41  }
0xa7: {  	v3 =	vor.u32 v3, v4  }
0xa8: {  	v4 =	vperm.xlane v3, v0;
	_ =	sdelay $0x1  }
0xa9: {  	v4 =	vadd.s32 v1, v4;
	_ =	sdelay $0x1  }
0xaa: {  	v3 =	vperm.xlane v3, v2;
	_ =	sdelay $0x1  }
0xab: {  	s9 =	simm.s32 $0x2200;
	v3 =	vadd.s32 v1, v3  }
0xac: {  	[tilespmem:s9], [sflag:$0x1] =	stream.indirect_vreg.gather [hbm4b:s3+s2], $0x80, v4, vm0, $0xb8;
	[tilespmem:$0x10200] =	vst v63  }
0xad: {  	s10 =	simm.s32 $0x2A00  }
0xae: {  	[tilespmem:s10], [sflag:$0x1] =	stream.indirect_vreg.gather [hbm4b:s4+s2], $0x80, v4, vm0, $0xb8;
	[tilespmem:$0x10200] =	vst v63  }
0xaf: {  	s11 =	simm.s32 $0x3200  }
0xb0: {  	[tilespmem:s11], [sflag:$0x1] =	stream.indirect_vreg.gather [hbm4b:s3+s2], $0x80, v3, vm0, $0xb8;
	[tilespmem:$0x10200] =	vst v63  }
0xb1: {  	s13 =	simm.s32 $0x3A00  }
0xb2: {  	[tilespmem:s13], [sflag:$0x1] =	stream.indirect_vreg.gather [hbm4b:s4+s2], $0x80, v3, vm0, $0xb8;
	[tilespmem:$0x10200] =	vst v63  }
0xb3: {  	v3 =	vld [tilespmem:$0xA0];
	_ =	sdelay $0x4  }
0xb4: {  	v42 =	vshll.u32 v3, $0x2  }
0xb5: {  	v3 =	vand.u32 $0x7, v3;
	v4 =	vand.u32 $0xFFFFFFE0, v42  }
0xb6: {  	v3 =	vor.u32 v3, v4  }
0xb7: {  	v4 =	vperm.xlane v3, v0;
	_ =	sdelay $0x1  }
0xb8: {  	v4 =	vadd.s32 v1, v4;
	_ =	sdelay $0x1  }
0xb9: {  	v3 =	vperm.xlane v3, v2;
	_ =	sdelay $0x1  }
0xba: {  	s12 =	simm.s32 $0x4200;
	v3 =	vadd.s32 v1, v3  }
0xbb: {  	[tilespmem:s12], [sflag:$0x1] =	stream.indirect_vreg.gather [hbm4b:s3+s2], $0x80, v4, vm0, $0xb8;
	[tilespmem:$0x10200] =	vst v63  }
0xbc: {  	s17 =	simm.s32 $0x4A00  }
0xbd: {  	[tilespmem:s17], [sflag:$0x1] =	stream.indirect_vreg.gather [hbm4b:s4+s2], $0x80, v4, vm0, $0xb8;
	[tilespmem:$0x10200] =	vst v63  }
0xbe: {  	s13 =	simm.s32 $0x5200  }
0xbf: {  	[tilespmem:s13], [sflag:$0x1] =	stream.indirect_vreg.gather [hbm4b:s3+s2], $0x80, v3, vm0, $0xb8;
	[tilespmem:$0x10200] =	vst v63  }
0xc0: {  	s18 =	simm.s32 $0x5A00  }
0xc1: {  	[tilespmem:s18], [sflag:$0x1] =	stream.indirect_vreg.gather [hbm4b:s4+s2], $0x80, v3, vm0, $0xb8;
	[tilespmem:$0x10200] =	vst v63  }
0xc2: {  	v3 =	vld [tilespmem:$0xB0];
	_ =	sdelay $0x4  }
0xc3: {  	v43 =	vshll.u32 v3, $0x2  }
0xc4: {  	v3 =	vand.u32 $0x7, v3;
	v4 =	vand.u32 $0xFFFFFFE0, v43  }
0xc5: {  	v3 =	vor.u32 v3, v4  }
0xc6: {  	v4 =	vperm.xlane v3, v0;
	_ =	sdelay $0x1  }
0xc7: {  	v4 =	vadd.s32 v1, v4;
	_ =	sdelay $0x1  }
0xc8: {  	v3 =	vperm.xlane v3, v2;
	_ =	sdelay $0x1  }
0xc9: {  	s18 =	simm.s32 $0x6200;
	v3 =	vadd.s32 v1, v3  }
0xca: {  	[tilespmem:s18], [sflag:$0x1] =	stream.indirect_vreg.gather [hbm4b:s3+s2], $0x80, v4, vm0, $0xb8;
	[tilespmem:$0x10200] =	vst v63  }
0xcb: {  	s19 =	simm.s32 $0x6A00  }
0xcc: {  	[tilespmem:s19], [sflag:$0x1] =	stream.indirect_vreg.gather [hbm4b:s4+s2], $0x80, v4, vm0, $0xb8;
	[tilespmem:$0x10200] =	vst v63  }
0xcd: {  	s12 =	simm.s32 $0x7200  }
0xce: {  	[tilespmem:s12], [sflag:$0x1] =	stream.indirect_vreg.gather [hbm4b:s3+s2], $0x80, v3, vm0, $0xb8;
	[tilespmem:$0x10200] =	vst v63  }
0xcf: {  	s20 =	simm.s32 $0x7A00  }
0xd0: {  	[tilespmem:s20], [sflag:$0x1] =	stream.indirect_vreg.gather [hbm4b:s4+s2], $0x80, v3, vm0, $0xb8;
	[tilespmem:$0x10200] =	vst v63  }
0xd1: {  	_ =	swait.ge [sflag:s15], $0x8000  }
0xd2: {  	[sflag:s15] =	ssyncset.done $0x0  }
0xd3: {  	s8 =	rddreg [dreg:$0x4];
	[sflag:s15] =	ssyncadd.s32 $0xFFFF8000  }
0xd4: {  	[hbm4b:s8+s2] =	stream.linear.scatter [tilespmem:s23], [sflag:$0x3], $0x8000, $0x38;
	[tilespmem:$0x10200] =	vst v63  }
0xd5: {  	_ =	swait.ge [sflag:s6], $0x8000  }
0xd6: {  	[sflag:s6] =	ssyncset.done $0x0  }
0xd7: {  	[sflag:s6] =	ssyncadd.s32 $0xFFFF8000  }
0xd8: {  	v3 =	vld [tilespmem:$0xC0];
	_ =	sdelay $0x4  }
0xd9: {  	v44 =	vshll.u32 v3, $0x2  }
0xda: {  	v3 =	vand.u32 $0x7, v3;
	v4 =	vand.u32 $0xFFFFFFE0, v44  }
0xdb: {  	v3 =	vor.u32 v3, v4  }
0xdc: {  	v4 =	vperm.xlane v3, v0;
	_ =	sdelay $0x1  }
0xdd: {  	v4 =	vadd.s32 v1, v4;
	_ =	sdelay $0x1  }
0xde: {  	v3 =	vperm.xlane v3, v2;
	_ =	sdelay $0x1  }
0xdf: {  	v3 =	vadd.s32 v1, v3  }
0xe0: {  	[tilespmem:s23], [sflag:$0x2] =	stream.indirect_vreg.gather [hbm4b:s3+s2], $0x80, v4, vm0, $0xb8;
	[tilespmem:$0x10200] =	vst v63  }
0xe1: {  	s0 =	simm.s32 $0x8A00  }
0xe2: {  	[tilespmem:s0], [sflag:$0x2] =	stream.indirect_vreg.gather [hbm4b:s4+s2], $0x80, v4, vm0, $0xb8;
	[tilespmem:$0x10200] =	vst v63  }
0xe3: {  	s1 =	simm.s32 $0x9200  }
0xe4: {  	[tilespmem:s1], [sflag:$0x2] =	stream.indirect_vreg.gather [hbm4b:s3+s2], $0x80, v3, vm0, $0xb8;
	[tilespmem:$0x10200] =	vst v63  }
0xe5: {  	s7 =	simm.s32 $0x9A00  }
0xe6: {  	[tilespmem:s7], [sflag:$0x2] =	stream.indirect_vreg.gather [hbm4b:s4+s2], $0x80, v3, vm0, $0xb8;
	[tilespmem:$0x10200] =	vst v63  }
0xe7: {  	v3 =	vld [tilespmem:$0xD0];
	_ =	sdelay $0x4  }
0xe8: {  	v45 =	vshll.u32 v3, $0x2  }
0xe9: {  	v3 =	vand.u32 $0x7, v3;
	v4 =	vand.u32 $0xFFFFFFE0, v45  }
0xea: {  	v3 =	vor.u32 v3, v4  }
0xeb: {  	v4 =	vperm.xlane v3, v0;
	_ =	sdelay $0x1  }
0xec: {  	v4 =	vadd.s32 v1, v4;
	_ =	sdelay $0x1  }
0xed: {  	v3 =	vperm.xlane v3, v2;
	_ =	sdelay $0x1  }
0xee: {  	s7 =	simm.s32 $0xA200;
	v3 =	vadd.s32 v1, v3  }
0xef: {  	[tilespmem:s7], [sflag:$0x2] =	stream.indirect_vreg.gather [hbm4b:s3+s2], $0x80, v4, vm0, $0xb8;
	[tilespmem:$0x10200] =	vst v63  }
0xf0: {  	s8 =	simm.s32 $0xAA00  }
0xf1: {  	[tilespmem:s8], [sflag:$0x2] =	stream.indirect_vreg.gather [hbm4b:s4+s2], $0x80, v4, vm0, $0xb8;
	[tilespmem:$0x10200] =	vst v63  }
0xf2: {  	s28 =	simm.s32 $0xB200  }
0xf3: {  	[tilespmem:s28], [sflag:$0x2] =	stream.indirect_vreg.gather [hbm4b:s3+s2], $0x80, v3, vm0, $0xb8;
	[tilespmem:$0x10200] =	vst v63  }
0xf4: {  	s22 =	simm.s32 $0xBA00  }
0xf5: {  	[tilespmem:s22], [sflag:$0x2] =	stream.indirect_vreg.gather [hbm4b:s4+s2], $0x80, v3, vm0, $0xb8;
	[tilespmem:$0x10200] =	vst v63  }
0xf6: {  	v3 =	vld [tilespmem:$0xE0];
	_ =	sdelay $0x4  }
0xf7: {  	v46 =	vshll.u32 v3, $0x2  }
0xf8: {  	v3 =	vand.u32 $0x7, v3;
	v4 =	vand.u32 $0xFFFFFFE0, v46  }
0xf9: {  	v3 =	vor.u32 v3, v4  }
0xfa: {  	v4 =	vperm.xlane v3, v0;
	_ =	sdelay $0x1  }
0xfb: {  	v4 =	vadd.s32 v1, v4;
	_ =	sdelay $0x1  }
0xfc: {  	v3 =	vperm.xlane v3, v2;
	_ =	sdelay $0x1  }
0xfd: {  	s22 =	simm.s32 $0xC200;
	v3 =	vadd.s32 v1, v3  }
0xfe: {  	[tilespmem:s22], [sflag:$0x2] =	stream.indirect_vreg.gather [hbm4b:s3+s2], $0x80, v4, vm0, $0xb8;
	[tilespmem:$0x10200] =	vst v63  }
0xff: {  	s25 =	simm.s32 $0xCA00  }
0x100: {  	[tilespmem:s25], [sflag:$0x2] =	stream.indirect_vreg.gather [hbm4b:s4+s2], $0x80, v4, vm0, $0xb8;
	[tilespmem:$0x10200] =	vst v63  }
0x101: {  	s26 =	simm.s32 $0xD200  }
0x102: {  	[tilespmem:s26], [sflag:$0x2] =	stream.indirect_vreg.gather [hbm4b:s3+s2], $0x80, v3, vm0, $0xb8;
	[tilespmem:$0x10200] =	vst v63  }
0x103: {  	s24 =	simm.s32 $0xDA00  }
0x104: {  	[tilespmem:s24], [sflag:$0x2] =	stream.indirect_vreg.gather [hbm4b:s4+s2], $0x80, v3, vm0, $0xb8;
	[tilespmem:$0x10200] =	vst v63  }
0x105: {  	v3 =	vld [tilespmem:$0xF0];
	_ =	sdelay $0x4  }
0x106: {  	v47 =	vshll.u32 v3, $0x2  }
0x107: {  	v3 =	vand.u32 $0x7, v3;
	v4 =	vand.u32 $0xFFFFFFE0, v47  }
0x108: {  	v3 =	vor.u32 v3, v4  }
0x109: {  	v4 =	vperm.xlane v3, v0;
	_ =	sdelay $0x1  }
0x10a: {  	v4 =	vadd.s32 v1, v4;
	_ =	sdelay $0x1  }
0x10b: {  	v3 =	vperm.xlane v3, v2;
	_ =	sdelay $0x1  }
0x10c: {  	s30 =	simm.s32 $0xE200;
	v3 =	vadd.s32 v1, v3  }
0x10d: {  	[tilespmem:s30], [sflag:$0x2] =	stream.indirect_vreg.gather [hbm4b:s3+s2], $0x80, v4, vm0, $0xb8;
	[tilespmem:$0x10200] =	vst v63  }
0x10e: {  	s31 =	simm.s32 $0xEA00  }
0x10f: {  	[tilespmem:s31], [sflag:$0x2] =	stream.indirect_vreg.gather [hbm4b:s4+s2], $0x80, v4, vm0, $0xb8;
	[tilespmem:$0x10200] =	vst v63  }
0x110: {  	s30 =	simm.s32 $0xF200  }
0x111: {  	[tilespmem:s30], [sflag:$0x2] =	stream.indirect_vreg.gather [hbm4b:s3+s2], $0x80, v3, vm0, $0xb8;
	[tilespmem:$0x10200] =	vst v63  }
0x112: {  	s21 =	simm.s32 $0xFA00  }
0x113: {  	[tilespmem:s21], [sflag:$0x2] =	stream.indirect_vreg.gather [hbm4b:s4+s2], $0x80, v3, vm0, $0xb8;
	[tilespmem:$0x10200] =	vst v63  }
0x114: {  	_ =	swait.ge [sflag:s14], $0x8000  }
0x115: {  	[sflag:s14] =	ssyncset.done $0x0  }
0x116: {  	s21 =	rddreg [dreg:$0x5];
	[sflag:s14] =	ssyncadd.s32 $0xFFFF8000  }
0x117: {  	[hbm4b:s21+s2] =	stream.linear.scatter [tilespmem:s29], [sflag:$0x3], $0x8000, $0x38;
	[tilespmem:$0x10200] =	vst v63  }
0x118: {  	_ =	swait.ge [sflag:s6], $0x8000  }
0x119: {  	[sflag:s6] =	ssyncset.done $0x0  }
0x11a: {  	[sflag:s6] =	ssyncadd.s32 $0xFFFF8000  }
0x11b: {  	v3 =	vld [tilespmem:$0x100];
	_ =	sdelay $0x4  }
0x11c: {  	v48 =	vshll.u32 v3, $0x2  }
0x11d: {  	v3 =	vand.u32 $0x7, v3;
	v4 =	vand.u32 $0xFFFFFFE0, v48  }
0x11e: {  	v3 =	vor.u32 v3, v4  }
0x11f: {  	v4 =	vperm.xlane v3, v0;
	_ =	sdelay $0x1  }
0x120: {  	v4 =	vadd.s32 v1, v4;
	_ =	sdelay $0x1  }
0x121: {  	v3 =	vperm.xlane v3, v2;
	_ =	sdelay $0x1  }
0x122: {  	v3 =	vadd.s32 v1, v3  }
0x123: {  	[tilespmem:s29], [sflag:$0x1] =	stream.indirect_vreg.gather [hbm4b:s3+s2], $0x80, v4, vm0, $0xb8;
	[tilespmem:$0x10200] =	vst v63  }
0x124: {  	s21 =	simm.s32 $0xA00  }
0x125: {  	[tilespmem:s21], [sflag:$0x1] =	stream.indirect_vreg.gather [hbm4b:s4+s2], $0x80, v4, vm0, $0xb8;
	[tilespmem:$0x10200] =	vst v63  }
0x126: {  	s21 =	simm.s32 $0x1200  }
0x127: {  	[tilespmem:s21], [sflag:$0x1] =	stream.indirect_vreg.gather [hbm4b:s3+s2], $0x80, v3, vm0, $0xb8;
	[tilespmem:$0x10200] =	vst v63  }
0x128: {  	s21 =	simm.s32 $0x1A00  }
0x129: {  	[tilespmem:s21], [sflag:$0x1] =	stream.indirect_vreg.gather [hbm4b:s4+s2], $0x80, v3, vm0, $0xb8;
	[tilespmem:$0x10200] =	vst v63  }
0x12a: {  	v3 =	vld [tilespmem:$0x110];
	_ =	sdelay $0x4  }
0x12b: {  	v49 =	vshll.u32 v3, $0x2  }
0x12c: {  	v3 =	vand.u32 $0x7, v3;
	v4 =	vand.u32 $0xFFFFFFE0, v49  }
0x12d: {  	v3 =	vor.u32 v3, v4  }
0x12e: {  	v4 =	vperm.xlane v3, v0;
	_ =	sdelay $0x1  }
0x12f: {  	v4 =	vadd.s32 v1, v4;
	_ =	sdelay $0x1  }
0x130: {  	v3 =	vperm.xlane v3, v2;
	_ =	sdelay $0x1  }
0x131: {  	v3 =	vadd.s32 v1, v3  }
0x132: {  	[tilespmem:s9], [sflag:$0x1] =	stream.indirect_vreg.gather [hbm4b:s3+s2], $0x80, v4, vm0, $0xb8;
	[tilespmem:$0x10200] =	vst v63  }
0x133: {  	_ = 	snop  }
0x134: {  	[tilespmem:s10], [sflag:$0x1] =	stream.indirect_vreg.gather [hbm4b:s4+s2], $0x80, v4, vm0, $0xb8;
	[tilespmem:$0x10200] =	vst v63  }
0x135: {  	_ = 	snop  }
0x136: {  	[tilespmem:s11], [sflag:$0x1] =	stream.indirect_vreg.gather [hbm4b:s3+s2], $0x80, v3, vm0, $0xb8;
	[tilespmem:$0x10200] =	vst v63  }
0x137: {  	s21 =	simm.s32 $0x3A00  }
0x138: {  	[tilespmem:s21], [sflag:$0x1] =	stream.indirect_vreg.gather [hbm4b:s4+s2], $0x80, v3, vm0, $0xb8;
	[tilespmem:$0x10200] =	vst v63  }
0x139: {  	v3 =	vld [tilespmem:$0x120];
	_ =	sdelay $0x4  }
0x13a: {  	v50 =	vshll.u32 v3, $0x2  }
0x13b: {  	v3 =	vand.u32 $0x7, v3;
	v4 =	vand.u32 $0xFFFFFFE0, v50  }
0x13c: {  	v3 =	vor.u32 v3, v4  }
0x13d: {  	v4 =	vperm.xlane v3, v0;
	_ =	sdelay $0x1  }
0x13e: {  	v4 =	vadd.s32 v1, v4;
	_ =	sdelay $0x1  }
0x13f: {  	v3 =	vperm.xlane v3, v2;
	_ =	sdelay $0x1  }
0x140: {  	s21 =	simm.s32 $0x4200;
	v3 =	vadd.s32 v1, v3  }
0x141: {  	[tilespmem:s21], [sflag:$0x1] =	stream.indirect_vreg.gather [hbm4b:s3+s2], $0x80, v4, vm0, $0xb8;
	[tilespmem:$0x10200] =	vst v63  }
0x142: {  	_ = 	snop  }
0x143: {  	[tilespmem:s17], [sflag:$0x1] =	stream.indirect_vreg.gather [hbm4b:s4+s2], $0x80, v4, vm0, $0xb8;
	[tilespmem:$0x10200] =	vst v63  }
0x144: {  	_ = 	snop  }
0x145: {  	[tilespmem:s13], [sflag:$0x1] =	stream.indirect_vreg.gather [hbm4b:s3+s2], $0x80, v3, vm0, $0xb8;
	[tilespmem:$0x10200] =	vst v63  }
0x146: {  	s21 =	simm.s32 $0x5A00  }
0x147: {  	[tilespmem:s21], [sflag:$0x1] =	stream.indirect_vreg.gather [hbm4b:s4+s2], $0x80, v3, vm0, $0xb8;
	[tilespmem:$0x10200] =	vst v63  }
0x148: {  	v3 =	vld [tilespmem:$0x130];
	_ =	sdelay $0x4  }
0x149: {  	v51 =	vshll.u32 v3, $0x2  }
0x14a: {  	v3 =	vand.u32 $0x7, v3;
	v4 =	vand.u32 $0xFFFFFFE0, v51  }
0x14b: {  	v3 =	vor.u32 v3, v4  }
0x14c: {  	v4 =	vperm.xlane v3, v0;
	_ =	sdelay $0x1  }
0x14d: {  	v4 =	vadd.s32 v1, v4;
	_ =	sdelay $0x1  }
0x14e: {  	v3 =	vperm.xlane v3, v2;
	_ =	sdelay $0x1  }
0x14f: {  	v3 =	vadd.s32 v1, v3  }
0x150: {  	[tilespmem:s18], [sflag:$0x1] =	stream.indirect_vreg.gather [hbm4b:s3+s2], $0x80, v4, vm0, $0xb8;
	[tilespmem:$0x10200] =	vst v63  }
0x151: {  	_ = 	snop  }
0x152: {  	[tilespmem:s19], [sflag:$0x1] =	stream.indirect_vreg.gather [hbm4b:s4+s2], $0x80, v4, vm0, $0xb8;
	[tilespmem:$0x10200] =	vst v63  }
0x153: {  	_ = 	snop  }
0x154: {  	[tilespmem:s12], [sflag:$0x1] =	stream.indirect_vreg.gather [hbm4b:s3+s2], $0x80, v3, vm0, $0xb8;
	[tilespmem:$0x10200] =	vst v63  }
0x155: {  	_ = 	snop  }
0x156: {  	[tilespmem:s20], [sflag:$0x1] =	stream.indirect_vreg.gather [hbm4b:s4+s2], $0x80, v3, vm0, $0xb8;
	[tilespmem:$0x10200] =	vst v63  }
0x157: {  	_ =	swait.ge [sflag:s15], $0x8000  }
0x158: {  	[sflag:s15] =	ssyncset.done $0x0  }
0x159: {  	s21 =	rddreg [dreg:$0x6];
	[sflag:s15] =	ssyncadd.s32 $0xFFFF8000  }
0x15a: {  	[hbm4b:s21+s2] =	stream.linear.scatter [tilespmem:s23], [sflag:$0x3], $0x8000, $0x38;
	[tilespmem:$0x10200] =	vst v63  }
0x15b: {  	_ =	swait.ge [sflag:s6], $0x8000  }
0x15c: {  	[sflag:s6] =	ssyncset.done $0x0  }
0x15d: {  	[sflag:s6] =	ssyncadd.s32 $0xFFFF8000  }
0x15e: {  	v3 =	vld [tilespmem:$0x140];
	_ =	sdelay $0x4  }
0x15f: {  	v52 =	vshll.u32 v3, $0x2  }
0x160: {  	v3 =	vand.u32 $0x7, v3;
	v4 =	vand.u32 $0xFFFFFFE0, v52  }
0x161: {  	v3 =	vor.u32 v3, v4  }
0x162: {  	v4 =	vperm.xlane v3, v0;
	_ =	sdelay $0x1  }
0x163: {  	v4 =	vadd.s32 v1, v4;
	_ =	sdelay $0x1  }
0x164: {  	v3 =	vperm.xlane v3, v2;
	_ =	sdelay $0x1  }
0x165: {  	v3 =	vadd.s32 v1, v3  }
0x166: {  	[tilespmem:s23], [sflag:$0x2] =	stream.indirect_vreg.gather [hbm4b:s3+s2], $0x80, v4, vm0, $0xb8;
	[tilespmem:$0x10200] =	vst v63  }
0x167: {  	_ = 	snop  }
0x168: {  	[tilespmem:s0], [sflag:$0x2] =	stream.indirect_vreg.gather [hbm4b:s4+s2], $0x80, v4, vm0, $0xb8;
	[tilespmem:$0x10200] =	vst v63  }
0x169: {  	_ = 	snop  }
0x16a: {  	[tilespmem:s1], [sflag:$0x2] =	stream.indirect_vreg.gather [hbm4b:s3+s2], $0x80, v3, vm0, $0xb8;
	[tilespmem:$0x10200] =	vst v63  }
0x16b: {  	s21 =	simm.s32 $0x9A00  }
0x16c: {  	[tilespmem:s21], [sflag:$0x2] =	stream.indirect_vreg.gather [hbm4b:s4+s2], $0x80, v3, vm0, $0xb8;
	[tilespmem:$0x10200] =	vst v63  }
0x16d: {  	v3 =	vld [tilespmem:$0x150];
	_ =	sdelay $0x4  }
0x16e: {  	v53 =	vshll.u32 v3, $0x2  }
0x16f: {  	v3 =	vand.u32 $0x7, v3;
	v4 =	vand.u32 $0xFFFFFFE0, v53  }
0x170: {  	v3 =	vor.u32 v3, v4  }
0x171: {  	v4 =	vperm.xlane v3, v0;
	_ =	sdelay $0x1  }
0x172: {  	v4 =	vadd.s32 v1, v4;
	_ =	sdelay $0x1  }
0x173: {  	v3 =	vperm.xlane v3, v2;
	_ =	sdelay $0x1  }
0x174: {  	v3 =	vadd.s32 v1, v3  }
0x175: {  	[tilespmem:s7], [sflag:$0x2] =	stream.indirect_vreg.gather [hbm4b:s3+s2], $0x80, v4, vm0, $0xb8;
	[tilespmem:$0x10200] =	vst v63  }
0x176: {  	_ = 	snop  }
0x177: {  	[tilespmem:s8], [sflag:$0x2] =	stream.indirect_vreg.gather [hbm4b:s4+s2], $0x80, v4, vm0, $0xb8;
	[tilespmem:$0x10200] =	vst v63  }
0x178: {  	s28 =	simm.s32 $0xB200  }
0x179: {  	[tilespmem:s28], [sflag:$0x2] =	stream.indirect_vreg.gather [hbm4b:s3+s2], $0x80, v3, vm0, $0xb8;
	[tilespmem:$0x10200] =	vst v63  }
0x17a: {  	s21 =	simm.s32 $0xBA00  }
0x17b: {  	[tilespmem:s21], [sflag:$0x2] =	stream.indirect_vreg.gather [hbm4b:s4+s2], $0x80, v3, vm0, $0xb8;
	[tilespmem:$0x10200] =	vst v63  }
0x17c: {  	v3 =	vld [tilespmem:$0x160];
	_ =	sdelay $0x4  }
0x17d: {  	v54 =	vshll.u32 v3, $0x2  }
0x17e: {  	v3 =	vand.u32 $0x7, v3;
	v4 =	vand.u32 $0xFFFFFFE0, v54  }
0x17f: {  	v3 =	vor.u32 v3, v4  }
0x180: {  	v4 =	vperm.xlane v3, v0;
	_ =	sdelay $0x1  }
0x181: {  	v4 =	vadd.s32 v1, v4;
	_ =	sdelay $0x1  }
0x182: {  	v3 =	vperm.xlane v3, v2;
	_ =	sdelay $0x1  }
0x183: {  	s22 =	simm.s32 $0xC200;
	v3 =	vadd.s32 v1, v3  }
0x184: {  	[tilespmem:s22], [sflag:$0x2] =	stream.indirect_vreg.gather [hbm4b:s3+s2], $0x80, v4, vm0, $0xb8;
	[tilespmem:$0x10200] =	vst v63  }
0x185: {  	s25 =	simm.s32 $0xCA00  }
0x186: {  	[tilespmem:s25], [sflag:$0x2] =	stream.indirect_vreg.gather [hbm4b:s4+s2], $0x80, v4, vm0, $0xb8;
	[tilespmem:$0x10200] =	vst v63  }
0x187: {  	s26 =	simm.s32 $0xD200  }
0x188: {  	[tilespmem:s26], [sflag:$0x2] =	stream.indirect_vreg.gather [hbm4b:s3+s2], $0x80, v3, vm0, $0xb8;
	[tilespmem:$0x10200] =	vst v63  }
0x189: {  	s26 =	simm.s32 $0xDA00  }
0x18a: {  	[tilespmem:s26], [sflag:$0x2] =	stream.indirect_vreg.gather [hbm4b:s4+s2], $0x80, v3, vm0, $0xb8;
	[tilespmem:$0x10200] =	vst v63  }
0x18b: {  	v3 =	vld [tilespmem:$0x170];
	_ =	sdelay $0x4  }
0x18c: {  	v55 =	vshll.u32 v3, $0x2  }
0x18d: {  	v3 =	vand.u32 $0x7, v3;
	v4 =	vand.u32 $0xFFFFFFE0, v55  }
0x18e: {  	v3 =	vor.u32 v3, v4  }
0x18f: {  	v4 =	vperm.xlane v3, v0;
	_ =	sdelay $0x1  }
0x190: {  	v4 =	vadd.s32 v1, v4;
	_ =	sdelay $0x1  }
0x191: {  	v3 =	vperm.xlane v3, v2;
	_ =	sdelay $0x1  }
0x192: {  	s24 =	simm.s32 $0xE200;
	v3 =	vadd.s32 v1, v3  }
0x193: {  	[tilespmem:s24], [sflag:$0x2] =	stream.indirect_vreg.gather [hbm4b:s3+s2], $0x80, v4, vm0, $0xb8;
	[tilespmem:$0x10200] =	vst v63  }
0x194: {  	s31 =	simm.s32 $0xEA00  }
0x195: {  	[tilespmem:s31], [sflag:$0x2] =	stream.indirect_vreg.gather [hbm4b:s4+s2], $0x80, v4, vm0, $0xb8;
	[tilespmem:$0x10200] =	vst v63  }
0x196: {  	s30 =	simm.s32 $0xF200  }
0x197: {  	[tilespmem:s30], [sflag:$0x2] =	stream.indirect_vreg.gather [hbm4b:s3+s2], $0x80, v3, vm0, $0xb8;
	[tilespmem:$0x10200] =	vst v63  }
0x198: {  	s30 =	simm.s32 $0xFA00  }
0x199: {  	[tilespmem:s30], [sflag:$0x2] =	stream.indirect_vreg.gather [hbm4b:s4+s2], $0x80, v3, vm0, $0xb8;
	[tilespmem:$0x10200] =	vst v63  }
0x19a: {  	_ =	swait.ge [sflag:s14], $0x8000  }
0x19b: {  	[sflag:s14] =	ssyncset.done $0x0  }
0x19c: {  	s16 =	rddreg [dreg:$0x7];
	[sflag:s14] =	ssyncadd.s32 $0xFFFF8000  }
0x19d: {  	[hbm4b:s16+s2] =	stream.linear.scatter [tilespmem:s29], [sflag:$0x3], $0x8000, $0x38;
	[tilespmem:$0x10200] =	vst v63  }
0x19e: {  	_ =	swait.ge [sflag:s6], $0x8000  }
0x19f: {  	[sflag:s6] =	ssyncset.done $0x0  }
0x1a0: {  	[sflag:s6] =	ssyncadd.s32 $0xFFFF8000  }
0x1a1: {  	v3 =	vld [tilespmem:$0x180];
	_ =	sdelay $0x4  }
0x1a2: {  	v56 =	vshll.u32 v3, $0x2  }
0x1a3: {  	v3 =	vand.u32 $0x7, v3;
	v4 =	vand.u32 $0xFFFFFFE0, v56  }
0x1a4: {  	v3 =	vor.u32 v3, v4  }
0x1a5: {  	v4 =	vperm.xlane v3, v0;
	_ =	sdelay $0x1  }
0x1a6: {  	v4 =	vadd.s32 v1, v4;
	_ =	sdelay $0x1  }
0x1a7: {  	v3 =	vperm.xlane v3, v2;
	_ =	sdelay $0x1  }
0x1a8: {  	v3 =	vadd.s32 v1, v3  }
0x1a9: {  	[tilespmem:s29], [sflag:$0x1] =	stream.indirect_vreg.gather [hbm4b:s3+s2], $0x80, v4, vm0, $0xb8;
	[tilespmem:$0x10200] =	vst v63  }
0x1aa: {  	s16 =	simm.s32 $0xA00  }
0x1ab: {  	[tilespmem:s16], [sflag:$0x1] =	stream.indirect_vreg.gather [hbm4b:s4+s2], $0x80, v4, vm0, $0xb8;
	[tilespmem:$0x10200] =	vst v63  }
0x1ac: {  	s16 =	simm.s32 $0x1200  }
0x1ad: {  	[tilespmem:s16], [sflag:$0x1] =	stream.indirect_vreg.gather [hbm4b:s3+s2], $0x80, v3, vm0, $0xb8;
	[tilespmem:$0x10200] =	vst v63  }
0x1ae: {  	s16 =	simm.s32 $0x1A00  }
0x1af: {  	[tilespmem:s16], [sflag:$0x1] =	stream.indirect_vreg.gather [hbm4b:s4+s2], $0x80, v3, vm0, $0xb8;
	[tilespmem:$0x10200] =	vst v63  }
0x1b0: {  	v3 =	vld [tilespmem:$0x190];
	_ =	sdelay $0x4  }
0x1b1: {  	v57 =	vshll.u32 v3, $0x2  }
0x1b2: {  	v3 =	vand.u32 $0x7, v3;
	v4 =	vand.u32 $0xFFFFFFE0, v57  }
0x1b3: {  	v3 =	vor.u32 v3, v4  }
0x1b4: {  	v4 =	vperm.xlane v3, v0;
	_ =	sdelay $0x1  }
0x1b5: {  	v4 =	vadd.s32 v1, v4;
	_ =	sdelay $0x1  }
0x1b6: {  	v3 =	vperm.xlane v3, v2;
	_ =	sdelay $0x1  }
0x1b7: {  	s9 =	simm.s32 $0x2200;
	v3 =	vadd.s32 v1, v3  }
0x1b8: {  	[tilespmem:s9], [sflag:$0x1] =	stream.indirect_vreg.gather [hbm4b:s3+s2], $0x80, v4, vm0, $0xb8;
	[tilespmem:$0x10200] =	vst v63  }
0x1b9: {  	s10 =	simm.s32 $0x2A00  }
0x1ba: {  	[tilespmem:s10], [sflag:$0x1] =	stream.indirect_vreg.gather [hbm4b:s4+s2], $0x80, v4, vm0, $0xb8;
	[tilespmem:$0x10200] =	vst v63  }
0x1bb: {  	s11 =	simm.s32 $0x3200  }
0x1bc: {  	[tilespmem:s11], [sflag:$0x1] =	stream.indirect_vreg.gather [hbm4b:s3+s2], $0x80, v3, vm0, $0xb8;
	[tilespmem:$0x10200] =	vst v63  }
0x1bd: {  	s11 =	simm.s32 $0x3A00  }
0x1be: {  	[tilespmem:s11], [sflag:$0x1] =	stream.indirect_vreg.gather [hbm4b:s4+s2], $0x80, v3, vm0, $0xb8;
	[tilespmem:$0x10200] =	vst v63  }
0x1bf: {  	v3 =	vld [tilespmem:$0x1A0];
	_ =	sdelay $0x4  }
0x1c0: {  	v58 =	vshll.u32 v3, $0x2  }
0x1c1: {  	v3 =	vand.u32 $0x7, v3;
	v4 =	vand.u32 $0xFFFFFFE0, v58  }
0x1c2: {  	v3 =	vor.u32 v3, v4  }
0x1c3: {  	v4 =	vperm.xlane v3, v0;
	_ =	sdelay $0x1  }
0x1c4: {  	v4 =	vadd.s32 v1, v4;
	_ =	sdelay $0x1  }
0x1c5: {  	v3 =	vperm.xlane v3, v2;
	_ =	sdelay $0x1  }
0x1c6: {  	s16 =	simm.s32 $0x4200;
	v3 =	vadd.s32 v1, v3  }
0x1c7: {  	[tilespmem:s16], [sflag:$0x1] =	stream.indirect_vreg.gather [hbm4b:s3+s2], $0x80, v4, vm0, $0xb8;
	[tilespmem:$0x10200] =	vst v63  }
0x1c8: {  	s17 =	simm.s32 $0x4A00  }
0x1c9: {  	[tilespmem:s17], [sflag:$0x1] =	stream.indirect_vreg.gather [hbm4b:s4+s2], $0x80, v4, vm0, $0xb8;
	[tilespmem:$0x10200] =	vst v63  }
0x1ca: {  	s13 =	simm.s32 $0x5200  }
0x1cb: {  	[tilespmem:s13], [sflag:$0x1] =	stream.indirect_vreg.gather [hbm4b:s3+s2], $0x80, v3, vm0, $0xb8;
	[tilespmem:$0x10200] =	vst v63  }
0x1cc: {  	s17 =	simm.s32 $0x5A00  }
0x1cd: {  	[tilespmem:s17], [sflag:$0x1] =	stream.indirect_vreg.gather [hbm4b:s4+s2], $0x80, v3, vm0, $0xb8;
	[tilespmem:$0x10200] =	vst v63  }
0x1ce: {  	v3 =	vld [tilespmem:$0x1B0];
	_ =	sdelay $0x4  }
0x1cf: {  	v59 =	vshll.u32 v3, $0x2  }
0x1d0: {  	v3 =	vand.u32 $0x7, v3;
	v4 =	vand.u32 $0xFFFFFFE0, v59  }
0x1d1: {  	v3 =	vor.u32 v3, v4  }
0x1d2: {  	v4 =	vperm.xlane v3, v0;
	_ =	sdelay $0x1  }
0x1d3: {  	v4 =	vadd.s32 v1, v4;
	_ =	sdelay $0x1  }
0x1d4: {  	v3 =	vperm.xlane v3, v2;
	_ =	sdelay $0x1  }
0x1d5: {  	s18 =	simm.s32 $0x6200;
	v3 =	vadd.s32 v1, v3  }
0x1d6: {  	[tilespmem:s18], [sflag:$0x1] =	stream.indirect_vreg.gather [hbm4b:s3+s2], $0x80, v4, vm0, $0xb8;
	[tilespmem:$0x10200] =	vst v63  }
0x1d7: {  	s19 =	simm.s32 $0x6A00  }
0x1d8: {  	[tilespmem:s19], [sflag:$0x1] =	stream.indirect_vreg.gather [hbm4b:s4+s2], $0x80, v4, vm0, $0xb8;
	[tilespmem:$0x10200] =	vst v63  }
0x1d9: {  	s12 =	simm.s32 $0x7200  }
0x1da: {  	[tilespmem:s12], [sflag:$0x1] =	stream.indirect_vreg.gather [hbm4b:s3+s2], $0x80, v3, vm0, $0xb8;
	[tilespmem:$0x10200] =	vst v63  }
0x1db: {  	s20 =	simm.s32 $0x7A00  }
0x1dc: {  	[tilespmem:s20], [sflag:$0x1] =	stream.indirect_vreg.gather [hbm4b:s4+s2], $0x80, v3, vm0, $0xb8;
	[tilespmem:$0x10200] =	vst v63  }
0x1dd: {  	_ =	swait.ge [sflag:s15], $0x8000  }
0x1de: {  	[sflag:s15] =	ssyncset.done $0x0  }
0x1df: {  	s18 =	rddreg [dreg:$0x8];
	[sflag:s15] =	ssyncadd.s32 $0xFFFF8000  }
0x1e0: {  	[hbm4b:s18+s2] =	stream.linear.scatter [tilespmem:s23], [sflag:$0x3], $0x8000, $0x38;
	[tilespmem:$0x10200] =	vst v63  }
0x1e1: {  	_ =	swait.ge [sflag:s6], $0x8000  }
0x1e2: {  	[sflag:s6] =	ssyncset.done $0x0  }
0x1e3: {  	[sflag:s6] =	ssyncadd.s32 $0xFFFF8000  }
0x1e4: {  	v3 =	vld [tilespmem:$0x1C0];
	_ =	sdelay $0x4  }
0x1e5: {  	v60 =	vshll.u32 v3, $0x2  }
0x1e6: {  	v3 =	vand.u32 $0x7, v3;
	v4 =	vand.u32 $0xFFFFFFE0, v60  }
0x1e7: {  	v3 =	vor.u32 v3, v4  }
0x1e8: {  	v4 =	vperm.xlane v3, v0;
	_ =	sdelay $0x1  }
0x1e9: {  	v4 =	vadd.s32 v1, v4;
	_ =	sdelay $0x1  }
0x1ea: {  	v3 =	vperm.xlane v3, v2;
	_ =	sdelay $0x1  }
0x1eb: {  	v3 =	vadd.s32 v1, v3  }
0x1ec: {  	[tilespmem:s23], [sflag:$0x2] =	stream.indirect_vreg.gather [hbm4b:s3+s2], $0x80, v4, vm0, $0xb8;
	[tilespmem:$0x10200] =	vst v63  }
0x1ed: {  	s0 =	simm.s32 $0x8A00  }
0x1ee: {  	[tilespmem:s0], [sflag:$0x2] =	stream.indirect_vreg.gather [hbm4b:s4+s2], $0x80, v4, vm0, $0xb8;
	[tilespmem:$0x10200] =	vst v63  }
0x1ef: {  	s1 =	simm.s32 $0x9200  }
0x1f0: {  	[tilespmem:s1], [sflag:$0x2] =	stream.indirect_vreg.gather [hbm4b:s3+s2], $0x80, v3, vm0, $0xb8;
	[tilespmem:$0x10200] =	vst v63  }
0x1f1: {  	s19 =	simm.s32 $0x9A00  }
0x1f2: {  	[tilespmem:s19], [sflag:$0x2] =	stream.indirect_vreg.gather [hbm4b:s4+s2], $0x80, v3, vm0, $0xb8;
	[tilespmem:$0x10200] =	vst v63  }
0x1f3: {  	v3 =	vld [tilespmem:$0x1D0];
	_ =	sdelay $0x4  }
0x1f4: {  	v61 =	vshll.u32 v3, $0x2  }
0x1f5: {  	v3 =	vand.u32 $0x7, v3;
	v4 =	vand.u32 $0xFFFFFFE0, v61  }
0x1f6: {  	v3 =	vor.u32 v3, v4  }
0x1f7: {  	v4 =	vperm.xlane v3, v0;
	_ =	sdelay $0x1  }
0x1f8: {  	v4 =	vadd.s32 v1, v4;
	_ =	sdelay $0x1  }
0x1f9: {  	v3 =	vperm.xlane v3, v2;
	_ =	sdelay $0x1  }
0x1fa: {  	s7 =	simm.s32 $0xA200;
	v3 =	vadd.s32 v1, v3  }
0x1fb: {  	[tilespmem:s7], [sflag:$0x2] =	stream.indirect_vreg.gather [hbm4b:s3+s2], $0x80, v4, vm0, $0xb8;
	[tilespmem:$0x10200] =	vst v63  }
0x1fc: {  	s8 =	simm.s32 $0xAA00  }
0x1fd: {  	[tilespmem:s8], [sflag:$0x2] =	stream.indirect_vreg.gather [hbm4b:s4+s2], $0x80, v4, vm0, $0xb8;
	[tilespmem:$0x10200] =	vst v63  }
0x1fe: {  	s28 =	simm.s32 $0xB200  }
0x1ff: {  	[tilespmem:s28], [sflag:$0x2] =	stream.indirect_vreg.gather [hbm4b:s3+s2], $0x80, v3, vm0, $0xb8;
	[tilespmem:$0x10200] =	vst v63  }
0x200: {  	s20 =	simm.s32 $0xBA00  }
0x201: {  	[tilespmem:s20], [sflag:$0x2] =	stream.indirect_vreg.gather [hbm4b:s4+s2], $0x80, v3, vm0, $0xb8;
	[tilespmem:$0x10200] =	vst v63  }
0x202: {  	v3 =	vld [tilespmem:$0x1E0];
	_ =	sdelay $0x4  }
0x203: {  	v62 =	vshll.u32 v3, $0x2  }
0x204: {  	v3 =	vand.u32 $0x7, v3;
	v4 =	vand.u32 $0xFFFFFFE0, v62  }
0x205: {  	v3 =	vor.u32 v3, v4  }
0x206: {  	v4 =	vperm.xlane v3, v0;
	_ =	sdelay $0x1  }
0x207: {  	v4 =	vadd.s32 v1, v4;
	_ =	sdelay $0x1  }
0x208: {  	v3 =	vperm.xlane v3, v2;
	_ =	sdelay $0x1  }
0x209: {  	s21 =	simm.s32 $0xC200;
	v3 =	vadd.s32 v1, v3  }
0x20a: {  	[tilespmem:s21], [sflag:$0x2] =	stream.indirect_vreg.gather [hbm4b:s3+s2], $0x80, v4, vm0, $0xb8;
	[tilespmem:$0x10200] =	vst v63  }
0x20b: {  	s22 =	simm.s32 $0xCA00  }
0x20c: {  	[tilespmem:s22], [sflag:$0x2] =	stream.indirect_vreg.gather [hbm4b:s4+s2], $0x80, v4, vm0, $0xb8;
	[tilespmem:$0x10200] =	vst v63  }
0x20d: {  	s25 =	simm.s32 $0xD200  }
0x20e: {  	[tilespmem:s25], [sflag:$0x2] =	stream.indirect_vreg.gather [hbm4b:s3+s2], $0x80, v3, vm0, $0xb8;
	[tilespmem:$0x10200] =	vst v63  }
0x20f: {  	s28 =	simm.s32 $0xDA00  }
0x210: {  	[tilespmem:s28], [sflag:$0x2] =	stream.indirect_vreg.gather [hbm4b:s4+s2], $0x80, v3, vm0, $0xb8;
	[tilespmem:$0x10200] =	vst v63  }
0x211: {  	v3 =	vld [tilespmem:$0x1F0];
	_ =	sdelay $0x4  }
0x212: {  	v63 =	vshll.u32 v3, $0x2  }
0x213: {  	v3 =	vand.u32 $0x7, v3;
	v4 =	vand.u32 $0xFFFFFFE0, v63  }
0x214: {  	v3 =	vor.u32 v3, v4  }
0x215: {  	v4 =	vperm.xlane v3, v0;
	_ =	sdelay $0x1  }
0x216: {  	v4 =	vadd.s32 v1, v4;
	_ =	sdelay $0x1  }
0x217: {  	v3 =	vperm.xlane v3, v2;
	_ =	sdelay $0x1  }
0x218: {  	s26 =	simm.s32 $0xE200;
	v3 =	vadd.s32 v1, v3  }
0x219: {  	[tilespmem:s26], [sflag:$0x2] =	stream.indirect_vreg.gather [hbm4b:s3+s2], $0x80, v4, vm0, $0xb8;
	[tilespmem:$0x10200] =	vst v63  }
0x21a: {  	s31 =	simm.s32 $0xEA00  }
0x21b: {  	[tilespmem:s31], [sflag:$0x2] =	stream.indirect_vreg.gather [hbm4b:s4+s2], $0x80, v4, vm0, $0xb8;
	[tilespmem:$0x10200] =	vst v63  }
0x21c: {  	s24 =	simm.s32 $0xF200  }
0x21d: {  	[tilespmem:s24], [sflag:$0x2] =	stream.indirect_vreg.gather [hbm4b:s3+s2], $0x80, v3, vm0, $0xb8;
	[tilespmem:$0x10200] =	vst v63  }
0x21e: {  	s30 =	simm.s32 $0xFA00  }
0x21f: {  	[tilespmem:s30], [sflag:$0x2] =	stream.indirect_vreg.gather [hbm4b:s4+s2], $0x80, v3, vm0, $0xb8;
	[tilespmem:$0x10200] =	vst v63  }
0x220: {  	_ =	swait.ge [sflag:s14], $0x8000  }
0x221: {  	[sflag:s14] =	ssyncset.done $0x0  }
0x222: {  	s30 =	rddreg [dreg:$0x9];
	[sflag:s14] =	ssyncadd.s32 $0xFFFF8000  }
0x223: {  	[hbm4b:s30+s2] =	stream.linear.scatter [tilespmem:s29], [sflag:$0x3], $0x8000, $0x38;
	[tilespmem:$0x10200] =	vst v63  }
0x224: {  	_ =	swait.ge [sflag:s6], $0x8000  }
0x225: {  	[sflag:s6] =	ssyncset.done $0x0  }
0x226: {  	[sflag:s6] =	ssyncadd.s32 $0xFFFF8000  }
0x227: {  	_ =	swait.ge [sflag:s15], $0x8000  }
0x228: {  	p0 =	sne.s32 s5, $0x1;
	[sflag:s15] =	ssyncset.done $0x0  }
.Ltmp0:
0x229: {  	s31 =	rddreg [dreg:$0xa];
	[sflag:s15] =	ssyncadd.s32 $0xFFFF8000;
	(pc) =	sbr.rel @p0 .LBB2_1-.Ltmp0, $4  }
0x22a: {  	[hbm4b:s31+s2] =	stream.linear.scatter [tilespmem:s23], [sflag:$0x3], $0x8000, $0x38;
	[tilespmem:$0x10200] =	vst v63  }
0x22b: {  	_ =	swait.ge [sflag:s6], $0x8000  }
0x22c: {  	[sflag:s6] =	ssyncset.done $0x0  }
0x22d: {  	s5 =	sadd.s32 $0xFFFFFFFF, s5;
	[sflag:s6] =	ssyncadd.s32 $0xFFFF8000  }
0x22e: {  	_ =	sfence.sel $0x180000  }
0x22f: {  	[bflag:$0x0] =	sbarrier.arrive $0xFFFF  }
0x230: {  	_ =	strace $0x9000004A  }
0x231: {  	s0 =	stileid.u32;
	[bflag:$0x2] =	sbarrier.arrive $0xFFFF  }
0x232: {  	p0 =	sne.s32 s0, $0x0;
	s0 =	rddreg [dreg:$0x1]  }
0x233: {  	s0 =	sadd.s32 @!p0 $0x100000, s0  }
0x234: {  	[sflag:s0] =	ssyncadd.tile.s32 @!p0 $0x1;
	_ =	shalt  }
.Lfunc_end2:
_tile_overlayer_lowered:
.L_overlay_start_2:
0x235: {  	(tag) =	ssettag $0x2  }
0x236: {  	s0 =	rddreg [dreg:$0x0];
	s2 =	stileid.u32  }
0x237: {  	s1 =	rddreg [dreg:$0x1];
	p0 =	sne.s32 s2, $0x0  }
0x238: {  	s3 =	rddreg [dreg:$0x2];
	[bflag:$0x3] =	sbarrier.arrive $0xFFFF;
	s2 =	simm.s32 @!p0 $0x1C03  }
0x239: {  	[timem:s3], [sflag:s2] =	dma.local @!p0 [hbm:s0], s1  }
0x23a: {  	s0 =	simm.s32 @!p0 $0x3  }
0x23b: {  	_ =	swait.ge @!p0 [sflag:s0], s1  }
0x23c: {  	s1 =	ssub.s32 @!p0 $0x0, s1;
	[sflag:s0] =	ssyncset.done @!p0 $0x0  }
0x23d: {  	[sflag:s0] =	ssyncadd.s32 @!p0 s1  }
0x23e: {  	[bflag:$0x3] =	sbarrier.arrive $0xFFFF  }
0x23f: {  	_ =	shalt  }

// kernel: kernel.7.cloned.1.call-start
scs
__scs_entry_jumppad:
0x0: {  	(pc) =	sbr.rel $0x88, $3  }
0x1: {  	(tag) =	ssettag $0x0;
	lr =	simm.s32 $0x1  }
0x2: {  	[smem:$0x3F8C] =	sst lr;
	_ =	strace $0xD0000000  }
0x3: {  	_ = 	snop  }
0x4: {  	_ = 	snop  }
0x5: {  	_ = 	snop  }
0x6: {  	_ = 	snop  }
0x7: {  	_ = 	snop  }
__scs_overlays_trampoline_lowered:
0x8: {  	[smem:$0x3F9B] =	sst s0  }
0x9: {  	[smem:$0x3F9C] =	sst s1  }
0xa: {  	[smem:$0x3F9D] =	sst s2  }
0xb: {  	[smem:$0x3F9E] =	sst s3  }
0xc: {  	[smem:$0x3F9F] =	sst s4  }
0xd: {  	[smem:$0x3FA0] =	sst s5  }
0xe: {  	[smem:$0x3FA1] =	sst s6  }
0xf: {  	[smem:$0x3FA2] =	sst s7  }
0x10: {  	[smem:$0x3FA3] =	sst s8  }
0x11: {  	[smem:$0x3FA4] =	sst s9;
	s0 =	simm.s32 @!p0 $0x0  }
0x12: {  	s1 =	sld [smem:$0x3F8A];
	s0 =	simm.s32 @p0 $0x1  }
0x13: {  	[smem:$0x3FA5] =	sst s0;
	s0 =	simm.s32 @!p1 $0x0  }
0x14: {  	s2 =	sld [smem:$0x3F89];
	s0 =	simm.s32 @p1 $0x1  }
0x15: {  	[smem:$0x3FA6] =	sst s0;
	s0 =	simm.s32 @!p2 $0x0  }
0x16: {  	s3 =	sld [smem:$0x3FDB];
	s0 =	simm.s32 @p2 $0x1  }
0x17: {  	s4 =	simm.s32 $0x1BF5;
	[smem:$0x3FA8] =	sst s0  }
0x18: {  	s0 =	sld [smem:$0x3F8B];
	_ =	swait.ge [sflag:s4], $0x0  }
0x19: {  	s7 =	sld [smem:$0x3F8C]  }
0x1a: {  	s8 =	sadd.s32 $0xFFFFE003, lr  }
0x1b: {  	s9 =	sadd.s32 $0xFFFFFEF7, lr;
	s5 =	simm.s32 $0xFFFFFFFF;
	p2 =	slt.u32 s8, $0xFFFFF086  }
0x1c: {  	p1 =	slt.u32 s9, $0xF7A;
	s5 =	simm.s32 @!p2 $0x0  }
0x1d: {  	s5 =	simm.s32 @p1 $0x1;
	p0 =	seq.s32 s7, s2  }
0x1e: {  	s7 =	smul.u32 @!p0 $0xF7A, s2;
	p2 =	seq.s32 @!p0 s5, $0x0  }
0x1f: {  	s9 =	smul.u32 $0xF7A, s1;
	s8 =	simm.s32 @!p0 $0x1BF5;
	p2 =	por !p2, p0  }
0x20: {  	[sflag:s8] =	ssyncset.s32 @!p0 $0xFFFFF086;
	s6 =	sadd.s32 @!p0 s3, s7;
	s7 =	simm.s32 @!p0 $0x108  }
0x21: {  	s3 =	sadd.s32 s3, s9;
	s6 =	sadd.s32 @!p0 $0x88, s6;
	s7 =	simm.s32 @p2 $0x1082  }
0x22: {  	[simem:s7], [sflag:s8] =	dma.local @!p0 [hbm:s6], $0xF7A  }
0x23: {  	s9 =	sor.u32 $0xD0000000, s2;
	s6 =	simm.s32 $0x108;
	_ =	swait.ge @!p0 [sflag:s8], $0x0  }
0x24: {  	s3 =	sadd.s32 $0x88, s3;
	s6 =	simm.s32 @!p1 $0x1082;
	[sflag:s4] =	ssyncset.s32 $0xFFFFF086  }
0x25: {  	[simem:s6], [sflag:s4] =	dma.local [hbm:s3], $0xF7A  }
0x26: {  	[smem:$0x3F8C] =	sst s1;
	(tag) =	ssettag s2;
	_ =	strace s9  }
0x27: {  	s1 =	sld [smem:$0x3F9C]  }
0x28: {  	s2 =	sld [smem:$0x3F9D]  }
0x29: {  	s4 =	sld [smem:$0x3F9F]  }
0x2a: {  	p0 =	seq.s32 s5, $0x0;
	s5 =	sld [smem:$0x3FA0]  }
0x2b: {  	s6 =	sld [smem:$0x3FA1]  }
0x2c: {  	s7 =	sld [smem:$0x3FA2]  }
0x2d: {  	s3 =	simm.s32 $0x108;
	s8 =	sld [smem:$0x3FA3]  }
0x2e: {  	s3 =	simm.s32 @!p0 $0x1082;
	s9 =	sld [smem:$0x3FA4]  }
0x2f: {  	lr =	sadd.s32 s0, s3;
	s0 =	sld [smem:$0x3F9B]  }
0x30: {  	s3 =	sld [smem:$0x3F9E]  }
0x31: {  	[smem:$0x3FA7] =	sst s10  }
0x32: {  	s10 =	sld [smem:$0x3FA5];
	_ =	sdelay $0x3  }
0x33: {  	p0 =	seq.s32 s10, $0x1;
	s10 =	sld [smem:$0x3FA7];
	_ =	sdelay $0x3  }
0x34: {  	[smem:$0x3FA7] =	sst s10  }
0x35: {  	s10 =	sld [smem:$0x3FA6];
	_ =	sdelay $0x3  }
0x36: {  	p1 =	seq.s32 s10, $0x1;
	s10 =	sld [smem:$0x3FA7];
	_ =	sdelay $0x3  }
0x37: {  	[smem:$0x3FA7] =	sst s10  }
0x38: {  	s10 =	sld [smem:$0x3FA8]  }
0x39: {  	_ = 	snop;
	(pc) =	sbr.ind lr, $3  }
0x3a: {  	_ = 	snop  }
0x3b: {  	_ = 	snop  }
0x3c: {  	p2 =	seq.s32 s10, $0x1;
	s10 =	sld [smem:$0x3FA7]  }
0x3d: {  	_ =	shalt  }
0x3e: {  	_ =	shalt  }
0x3f: {  	_ =	shalt  }
0x40: {  	_ =	shalt  }
0x41: {  	_ =	shalt  }
0x42: {  	_ =	shalt  }
0x43: {  	_ =	shalt  }
0x44: {  	_ =	shalt  }
0x45: {  	_ =	shalt  }
0x46: {  	_ =	shalt  }
0x47: {  	_ =	shalt  }
0x48: {  	_ =	shalt  }
0x49: {  	_ =	shalt  }
0x4a: {  	_ =	shalt  }
0x4b: {  	_ =	shalt  }
0x4c: {  	_ =	shalt  }
0x4d: {  	_ =	shalt  }
0x4e: {  	_ =	shalt  }
0x4f: {  	_ =	shalt  }
0x50: {  	_ =	shalt  }
0x51: {  	_ =	shalt  }
0x52: {  	_ =	shalt  }
0x53: {  	_ =	shalt  }
0x54: {  	_ =	shalt  }
0x55: {  	_ =	shalt  }
0x56: {  	_ =	shalt  }
0x57: {  	_ =	shalt  }
0x58: {  	_ =	shalt  }
0x59: {  	_ =	shalt  }
0x5a: {  	_ =	shalt  }
0x5b: {  	_ =	shalt  }
0x5c: {  	_ =	shalt  }
0x5d: {  	_ =	shalt  }
0x5e: {  	_ =	shalt  }
0x5f: {  	_ =	shalt  }
0x60: {  	_ =	shalt  }
0x61: {  	_ =	shalt  }
0x62: {  	_ =	shalt  }
0x63: {  	_ =	shalt  }
0x64: {  	_ =	shalt  }
0x65: {  	_ =	shalt  }
0x66: {  	_ =	shalt  }
0x67: {  	_ =	shalt  }
0x68: {  	_ =	shalt  }
0x69: {  	_ =	shalt  }
0x6a: {  	_ =	shalt  }
0x6b: {  	_ =	shalt  }
0x6c: {  	_ =	shalt  }
0x6d: {  	_ =	shalt  }
0x6e: {  	_ =	shalt  }
0x6f: {  	_ =	shalt  }
0x70: {  	_ =	shalt  }
0x71: {  	_ =	shalt  }
0x72: {  	_ =	shalt  }
0x73: {  	_ =	shalt  }
0x74: {  	_ =	shalt  }
0x75: {  	_ =	shalt  }
0x76: {  	_ =	shalt  }
0x77: {  	_ =	shalt  }
0x78: {  	_ =	shalt  }
0x79: {  	_ =	shalt  }
0x7a: {  	_ =	shalt  }
0x7b: {  	_ =	shalt  }
0x7c: {  	_ =	shalt  }
0x7d: {  	_ =	shalt  }
0x7e: {  	_ =	shalt  }
0x7f: {  	_ =	shalt  }
0x80: {  	_ =	shalt  }
0x81: {  	_ =	shalt  }
0x82: {  	_ =	shalt  }
0x83: {  	_ =	shalt  }
0x84: {  	_ =	shalt  }
0x85: {  	_ =	shalt  }
0x86: {  	_ =	shalt  }
0x87: {  	_ =	shalt  }
.Lfunc_end0:
.L_simem_size_0:
called_computation_lowered:
.L_overlay_start_0:
0x88: {  	s2 =	sld [smem:$0x3FD9]  }
0x89: {  	s3 =	sld [smem:$0x3FFE];
	_ =	sdelay $0x1  }
0x8a: {  	s1 =	srdreg.scid  }
0x8b: {  	s0 =	sand.u32 $0x1, s1  }
0x8c: {  	s14 =	sshll.u32 s0, $0xA;
	s2 =	sadd.s32 s3, s2  }
0x8d: {  	s2 =	sadd.s32 s2, s14  }
0x8e: {  	[smem:$0x3FB3] =	sst s2  }
0x8f: {  	_ = 	snop  }
0x90: {  	s2 =	sld [smem:$0x3FD0];
	_ =	sdelay $0x2  }
0x91: {  	s15 =	simm.s32 $0xA;
	s4 =	simm.s32 $0x10  }
0x92: {  	[smem:s4], [sflag:s15] =	dma.local [hbm:s2], $0x1  }
0x93: {  	_ =	swait.eq [sflag:s15], $0x1  }
0x94: {  	[sflag:s15] =	ssyncset.done $0x0  }
0x95: {  	[sflag:s15] =	ssyncadd.s32 $0xFFFFFFFF  }
0x96: {  	s16 =	sld [smem:$0x10];
	(tm) =	ssettm $0x1  }
0x97: {  	s17 =	sld [smem:$0x3FFB];
	_ =	sdelay $0x3  }
0x98: {  	_ =	strace s17  }
0x99: {  	s3 =	sld [smem:$0x3FFC];
	_ =	sdelay $0x3  }
0x9a: {  	_ =	strace s3  }
0x9b: {  	s3 =	sld [smem:$0x3FFD];
	_ =	sdelay $0x3  }
0x9c: {  	_ =	strace s3  }
0x9d: {  	_ =	strace $0x8FFFFFFF  }
0x9e: {  	s18 =	sld [smem:$0x3FDB];
	_ =	sdelay $0x1  }
0x9f: {  	s19 =	simm.s32 $_scs_section_size  }
0xa0: {  	s5 =	simm.s32 $_size__tile_overlayer_lowered;
	s6 =	simm.s32 $_tile_overlayer_lowered  }
0xa1: {  	s22 =	simm.s32 $0x1BFF;
	s21 =	sshll.u32 s6, $0x1;
	s3 =	sadd.s32 s19, s18  }
0xa2: {  	s7 =	simm.s32 $0x0;
	s20 =	sshll.u32 s5, $0x1;
	s5 =	sadd.s32 s21, s3  }
0xa3: {  	[timem:s7], [sflag:s22] =	dma.local [hbm:s5], s20  }
0xa4: {  	_ =	swait.ge [sflag:s22], s20  }
0xa5: {  	s4 =	ssub.s32 $0x0, s20;
	[sflag:s22] =	ssyncset.done $0x0  }
0xa6: {  	[sflag:s22] =	ssyncadd.s32 s4;
	_ =	sdelay $0x1  }
0xa7: {  	s23 =	simm.s32 $0x1B8B  }
0xa8: {  	_ =	swait.ge [sflag:s23], $0x1  }
0xa9: {  	[sflag:s23] =	ssyncset.done $0x0  }
0xaa: {  	s25 =	simm.s32 $0x1B8E;
	s24 =	sld [smem:$0x3FFE];
	[sflag:s23] =	ssyncadd.s32 $0xFFFFFFFF  }
0xab: {  	s26 =	simm.s32 $execute0_lowered;
	[smem:$0x3FD2] =	sst s25  }
0xac: {  	s5 =	sshll.u32 s26, $0x1;
	_ =	strace $0x80000046;
	[dreg:$0x1] =	wrdreg $0xFFFFFFFF  }
0xad: {  	s28 =	simm.s32 $_size_execute0_lowered;
	s3 =	sadd.s32 s3, s5;
	[dreg:$0x0] =	wrdreg $0x0  }
0xae: {  	s5 =	sshll.u32 s28, $0x1;
	[dreg:$0x2] =	wrdreg s3  }
0xaf: {  	[dreg:$0x3] =	wrdreg s5  }
0xb0: {  	[dreg:$0x4] =	wrdreg $0xC0  }
0xb1: {  	_ =	task [dreg:s7], $0x5FFFF  }
0xb2: {  	[dreg:$0x1] =	wrdreg $0xFFFFFFFF  }
0xb3: {  	[dreg:$0x0] =	wrdreg $0x60  }
0xb4: {  	[dreg:$0x2] =	wrdreg s16  }
0xb5: {  	[dreg:$0x3] =	wrdreg s24  }
0xb6: {  	[dreg:$0x4] =	wrdreg $0x9  }
0xb7: {  	_ =	task.clear_ibuf [dreg:s7], $0x5FFFF;
	_ =	strace $0x90000046  }
0xb8: {  	s29 =	simm.s32 $0x9;
	_ =	strace $0x80000048  }
0xb9: {  	_ =	swait.ge [sflag:s29], $0x1  }
0xba: {  	[sflag:s29] =	ssyncadd.s32 $0xFFFFFFFF  }
0xbb: {  	_ =	strace $0x90000048  }
0xbc: {  	_ =	sfence  }
0xbd: {  	s30 =	sld [smem:$0x0];
	_ =	sdelay $0x2  }
0xbe: {  	s31 =	sshll.u32 s1, $0xD;
	s1 =	sshrl.u32 s1, $0x2  }
0xbf: {  	s3 =	sand.u32 $0x4000, s31;
	s1 =	sadd.s32 s1, s30  }
0xc0: {  	s0 =	sor.u32 s3, s0;
	s1 =	sshll.u32 s1, $0x11  }
0xc1: {  	s0 =	sor.u32 s1, s0  }
0xc2: {  	s0 =	sadd.s32 $0x8F2B, s0  }
0xc3: {  	[sflag:s0] =	ssyncadd.remote.s32 $0x1  }
0xc4: {  	_ =	sfence.sel $0xFFFF  }
0xc5: {  	[dreg:$0x0] =	wrdreg $0xFFFFFFFF;
	(pc) =	sbr.abs _section_cstart, $3  }
0xc6: {  	[dreg:$0x1] =	wrdreg $0xFFFFFFFF  }
0xc7: {  	_ =	task.clear_ibuf [dreg:s7], $0x2FFFF;
	_ =	strace $0x9FFFFFFF  }
0xc8: {  	(tm) =	ssettm $0x7FFFFFFF  }
0xc9: {  	_ =	shalt  }
tec
execute0_lowered:
.L_overlay_start_1:
0x0: {  	(tag) =	ssettag $0x1  }
0x1: {  	s17 =	rddreg [dreg:$0x0]  }
0x2: {  	s0 =	rddreg [dreg:$0x1]  }
0x3: {  	s2 =	simm.s32 $0x0;
	s1 =	srdreg.scid;
	s5 =	stileid.u32  }
0x4: {  	s10 =	simm.s32 $0x1;
	s9 =	simm.s32 $0xB880;
	s8 =	simm.s32 $0xD880  }
0x5: {  	s11 =	simm.s32 $0xE080;
	s12 =	simm.s32 $0xE880;
	s13 =	simm.s32 $0xF080  }
0x6: {  	s14 =	simm.s32 $0xF880;
	[smem:$0x7FF] =	sst s2;
	s1 =	sand.u32 $0x1, s1  }
0x7: {  	s3 =	sadd.s32 $0xA0800, s0;
	s6 =	sshll.u32 s5, $0x9;
	s5 =	sadd.s32 $0xA1000, s0  }
0x8: {  	s7 =	sadd.s32 $0xA1100, s0;
	s18 =	sadd.s32 $0xA0C00, s0;
	s30 =	ssub.s32 $0x2, s1  }
0x9: {  	s0 =	simm.s32 $0x0;
	_ =	strace $0x80000047;
	s4 =	sshrl.u32 s30, $0x1  }
0xa: {  	v2 =	vlaneseq.u32;
	[dreg:$0x3] =	wrdreg s3;
	s1 =	sshll.u32 s1, $0x8;
	s3 =	ssub.s32 s30, s4  }
0xb: {  	vm0 =	vmmov $0xffff;
	v1 =	vshrl.u32 v2, $0x3;
	s16 =	sor.u32 s1, s6;
	s1 =	simm.s32 $0xC080;
	s31 =	smax.u32 s3, $0x1  }
0xc: {  	v0 =	vand.u32 $0x7, v2;
	v2 =	vor.u32 $0x8, v2;
	v1 =	vmul.u32 $0x8, v1;
	s6 =	simm.s32 $0xD080;
	s4 =	simm.s32 $0xC880;
	[dreg:$0x4] =	wrdreg s31  }
.LBB2_1:
0xd: {  	[dreg:$0x5] =	wrdreg s0  }
0xe: {  	p0 =	por $0x1, $0x1;
	s15 =	simm.s32 $0x0;
	s19 =	rddreg [dreg:$0x3]  }
.LBB2_2:
0xf: {  	s20 =	smov.u32 s16;
	s16 =	sor.u32 s16, s15  }
0x10: {  	s21 =	smov.u32 s18;
	s15 =	sshll.u32 s16, $0x6  }
0x11: {  	s18 =	smov.u32 s17;
	s17 =	sadd.s32 s17, s15;
	s15 =	simm.s32 $0x80  }
0x12: {  	[tilespmem:s15], [sflag:$0x1] =	stream.linear.gather [hbm4b:s17+s2], $0x10000, $0x38;
	[tilespmem:$0x10080] =	vst v63  }
0x13: {  	_ =	swait.ge [sflag:s10], $0x10000  }
0x14: {  	s16 =	sshrl.u32 s16, $0x3;
	[sflag:s10] =	ssyncset.done $0x0  }
0x15: {  	s17 =	sadd.s32 s19, s16;
	[sflag:s10] =	ssyncadd.s32 $0xFFFF0000  }
0x16: {  	[tilespmem:s2], [sflag:$0x1] =	stream.linear.gather [hbm4b:s17+s2], $0x80, $0x38;
	[tilespmem:$0x10080] =	vst v63  }
0x17: {  	_ =	swait.ge [sflag:s10], $0x80  }
0x18: {  	[sflag:s10] =	ssyncset.done $0x0  }
0x19: {  	[sflag:s10] =	ssyncadd.s32 $0xFFFFFF80  }
0x1a: {  	v3 =	vld [tilespmem:$0x0];
	_ =	sdelay $0x4  }
0x1b: {  	v4 =	vshll.u32 v3, $0x2  }
0x1c: {  	v3 =	vand.u32 $0x7, v3;
	v4 =	vand.u32 $0xFFFFFFE0, v4  }
0x1d: {  	v3 =	vor.u32 v3, v4  }
0x1e: {  	v4 =	vperm.xlane v3, v0;
	_ =	sdelay $0x1  }
0x1f: {  	v4 =	vadd.s32 v1, v4;
	_ =	sdelay $0x1  }
0x20: {  	v3 =	vperm.xlane v3, v2;
	_ =	sdelay $0x1  }
0x21: {  	v3 =	vadd.s32 v1, v3  }
0x22: {  	[hbm4b:s5+s2] =	stream.indirect_vreg.scatter [tilespmem:s15], [sflag:$0x1], $0x80, v4, vm0, $0xb8;
	[tilespmem:$0x10080] =	vst v63  }
0x23: {  	s17 =	smov.u32 s18;
	s18 =	smov.u32 s21;
	s21 =	simm.s32 $0x880  }
0x24: {  	[hbm4b:s7+s2] =	stream.indirect_vreg.scatter [tilespmem:s21], [sflag:$0x1], $0x80, v4, vm0, $0xb8;
	[tilespmem:$0x10080] =	vst v63  }
0x25: {  	s22 =	simm.s32 $0x1080  }
0x26: {  	[hbm4b:s5+s2] =	stream.indirect_vreg.scatter [tilespmem:s22], [sflag:$0x1], $0x80, v3, vm0, $0xb8;
	[tilespmem:$0x10080] =	vst v63  }
0x27: {  	s22 =	simm.s32 $0x1880  }
0x28: {  	[hbm4b:s7+s2] =	stream.indirect_vreg.scatter [tilespmem:s22], [sflag:$0x1], $0x80, v3, vm0, $0xb8;
	[tilespmem:$0x10080] =	vst v63  }
0x29: {  	v3 =	vld [tilespmem:$0x10];
	_ =	sdelay $0x4  }
0x2a: {  	v49 =	vshll.u32 v3, $0x2  }
0x2b: {  	v3 =	vand.u32 $0x7, v3;
	v4 =	vand.u32 $0xFFFFFFE0, v49  }
0x2c: {  	v3 =	vor.u32 v3, v4  }
0x2d: {  	v4 =	vperm.xlane v3, v0;
	_ =	sdelay $0x1  }
0x2e: {  	v4 =	vadd.s32 v1, v4;
	_ =	sdelay $0x1  }
0x2f: {  	v3 =	vperm.xlane v3, v2;
	_ =	sdelay $0x1  }
0x30: {  	s23 =	simm.s32 $0x2080;
	v3 =	vadd.s32 v1, v3  }
0x31: {  	[hbm4b:s5+s2] =	stream.indirect_vreg.scatter [tilespmem:s23], [sflag:$0x1], $0x80, v4, vm0, $0xb8;
	[tilespmem:$0x10080] =	vst v63  }
0x32: {  	s23 =	simm.s32 $0x2880  }
0x33: {  	[hbm4b:s7+s2] =	stream.indirect_vreg.scatter [tilespmem:s23], [sflag:$0x1], $0x80, v4, vm0, $0xb8;
	[tilespmem:$0x10080] =	vst v63  }
0x34: {  	s24 =	simm.s32 $0x3080  }
0x35: {  	[hbm4b:s5+s2] =	stream.indirect_vreg.scatter [tilespmem:s24], [sflag:$0x1], $0x80, v3, vm0, $0xb8;
	[tilespmem:$0x10080] =	vst v63  }
0x36: {  	s24 =	simm.s32 $0x3880  }
0x37: {  	[hbm4b:s7+s2] =	stream.indirect_vreg.scatter [tilespmem:s24], [sflag:$0x1], $0x80, v3, vm0, $0xb8;
	[tilespmem:$0x10080] =	vst v63  }
0x38: {  	v3 =	vld [tilespmem:$0x20];
	_ =	sdelay $0x4  }
0x39: {  	v50 =	vshll.u32 v3, $0x2  }
0x3a: {  	v3 =	vand.u32 $0x7, v3;
	v4 =	vand.u32 $0xFFFFFFE0, v50  }
0x3b: {  	v3 =	vor.u32 v3, v4  }
0x3c: {  	v4 =	vperm.xlane v3, v0;
	_ =	sdelay $0x1  }
0x3d: {  	v4 =	vadd.s32 v1, v4;
	_ =	sdelay $0x1  }
0x3e: {  	v3 =	vperm.xlane v3, v2;
	_ =	sdelay $0x1  }
0x3f: {  	s25 =	simm.s32 $0x4080;
	v3 =	vadd.s32 v1, v3  }
0x40: {  	[hbm4b:s5+s2] =	stream.indirect_vreg.scatter [tilespmem:s25], [sflag:$0x1], $0x80, v4, vm0, $0xb8;
	[tilespmem:$0x10080] =	vst v63  }
0x41: {  	s25 =	simm.s32 $0x4880  }
0x42: {  	[hbm4b:s7+s2] =	stream.indirect_vreg.scatter [tilespmem:s25], [sflag:$0x1], $0x80, v4, vm0, $0xb8;
	[tilespmem:$0x10080] =	vst v63  }
0x43: {  	s26 =	simm.s32 $0x5080  }
0x44: {  	[hbm4b:s5+s2] =	stream.indirect_vreg.scatter [tilespmem:s26], [sflag:$0x1], $0x80, v3, vm0, $0xb8;
	[tilespmem:$0x10080] =	vst v63  }
0x45: {  	s26 =	simm.s32 $0x5880  }
0x46: {  	[hbm4b:s7+s2] =	stream.indirect_vreg.scatter [tilespmem:s26], [sflag:$0x1], $0x80, v3, vm0, $0xb8;
	[tilespmem:$0x10080] =	vst v63  }
0x47: {  	v3 =	vld [tilespmem:$0x30];
	_ =	sdelay $0x4  }
0x48: {  	v51 =	vshll.u32 v3, $0x2  }
0x49: {  	v3 =	vand.u32 $0x7, v3;
	v4 =	vand.u32 $0xFFFFFFE0, v51  }
0x4a: {  	v3 =	vor.u32 v3, v4  }
0x4b: {  	v4 =	vperm.xlane v3, v0;
	_ =	sdelay $0x1  }
0x4c: {  	v4 =	vadd.s32 v1, v4;
	_ =	sdelay $0x1  }
0x4d: {  	v3 =	vperm.xlane v3, v2;
	_ =	sdelay $0x1  }
0x4e: {  	s28 =	simm.s32 $0x6080;
	v3 =	vadd.s32 v1, v3  }
0x4f: {  	[hbm4b:s5+s2] =	stream.indirect_vreg.scatter [tilespmem:s28], [sflag:$0x1], $0x80, v4, vm0, $0xb8;
	[tilespmem:$0x10080] =	vst v63  }
0x50: {  	s28 =	simm.s32 $0x6880  }
0x51: {  	[hbm4b:s7+s2] =	stream.indirect_vreg.scatter [tilespmem:s28], [sflag:$0x1], $0x80, v4, vm0, $0xb8;
	[tilespmem:$0x10080] =	vst v63  }
0x52: {  	s29 =	simm.s32 $0x7080  }
0x53: {  	[hbm4b:s5+s2] =	stream.indirect_vreg.scatter [tilespmem:s29], [sflag:$0x1], $0x80, v3, vm0, $0xb8;
	[tilespmem:$0x10080] =	vst v63  }
0x54: {  	s29 =	simm.s32 $0x7880  }
0x55: {  	[hbm4b:s7+s2] =	stream.indirect_vreg.scatter [tilespmem:s29], [sflag:$0x1], $0x80, v3, vm0, $0xb8;
	[tilespmem:$0x10080] =	vst v63  }
0x56: {  	v3 =	vld [tilespmem:$0x40];
	_ =	sdelay $0x4  }
0x57: {  	v52 =	vshll.u32 v3, $0x2  }
0x58: {  	v3 =	vand.u32 $0x7, v3;
	v4 =	vand.u32 $0xFFFFFFE0, v52  }
0x59: {  	v3 =	vor.u32 v3, v4  }
0x5a: {  	v4 =	vperm.xlane v3, v0;
	_ =	sdelay $0x1  }
0x5b: {  	v4 =	vadd.s32 v1, v4;
	_ =	sdelay $0x1  }
0x5c: {  	v3 =	vperm.xlane v3, v2;
	_ =	sdelay $0x1  }
0x5d: {  	s30 =	simm.s32 $0x8080;
	v3 =	vadd.s32 v1, v3  }
0x5e: {  	[hbm4b:s5+s2] =	stream.indirect_vreg.scatter [tilespmem:s30], [sflag:$0x1], $0x80, v4, vm0, $0xb8;
	[tilespmem:$0x10080] =	vst v63  }
0x5f: {  	s30 =	simm.s32 $0x8880  }
0x60: {  	[hbm4b:s7+s2] =	stream.indirect_vreg.scatter [tilespmem:s30], [sflag:$0x1], $0x80, v4, vm0, $0xb8;
	[tilespmem:$0x10080] =	vst v63  }
0x61: {  	s31 =	simm.s32 $0x9080  }
0x62: {  	[hbm4b:s5+s2] =	stream.indirect_vreg.scatter [tilespmem:s31], [sflag:$0x1], $0x80, v3, vm0, $0xb8;
	[tilespmem:$0x10080] =	vst v63  }
0x63: {  	s31 =	simm.s32 $0x9880  }
0x64: {  	[hbm4b:s7+s2] =	stream.indirect_vreg.scatter [tilespmem:s31], [sflag:$0x1], $0x80, v3, vm0, $0xb8;
	[tilespmem:$0x10080] =	vst v63  }
0x65: {  	v3 =	vld [tilespmem:$0x50];
	_ =	sdelay $0x4  }
0x66: {  	v53 =	vshll.u32 v3, $0x2  }
0x67: {  	v3 =	vand.u32 $0x7, v3;
	v4 =	vand.u32 $0xFFFFFFE0, v53  }
0x68: {  	v3 =	vor.u32 v3, v4  }
0x69: {  	v4 =	vperm.xlane v3, v0;
	_ =	sdelay $0x1  }
0x6a: {  	v4 =	vadd.s32 v1, v4;
	_ =	sdelay $0x1  }
0x6b: {  	v3 =	vperm.xlane v3, v2;
	_ =	sdelay $0x1  }
0x6c: {  	s0 =	simm.s32 $0xA080;
	v3 =	vadd.s32 v1, v3  }
0x6d: {  	[hbm4b:s5+s2] =	stream.indirect_vreg.scatter [tilespmem:s0], [sflag:$0x1], $0x80, v4, vm0, $0xb8;
	[tilespmem:$0x10080] =	vst v63  }
0x6e: {  	s3 =	simm.s32 $0xA880  }
0x6f: {  	[hbm4b:s7+s2] =	stream.indirect_vreg.scatter [tilespmem:s3], [sflag:$0x1], $0x80, v4, vm0, $0xb8;
	[tilespmem:$0x10080] =	vst v63  }
0x70: {  	s3 =	simm.s32 $0xB080  }
0x71: {  	[hbm4b:s5+s2] =	stream.indirect_vreg.scatter [tilespmem:s3], [sflag:$0x1], $0x80, v3, vm0, $0xb8;
	[tilespmem:$0x10080] =	vst v63  }
0x72: {  	_ = 	snop  }
0x73: {  	[hbm4b:s7+s2] =	stream.indirect_vreg.scatter [tilespmem:s9], [sflag:$0x1], $0x80, v3, vm0, $0xb8;
	[tilespmem:$0x10080] =	vst v63  }
0x74: {  	v3 =	vld [tilespmem:$0x60];
	_ =	sdelay $0x4  }
0x75: {  	v54 =	vshll.u32 v3, $0x2  }
0x76: {  	v3 =	vand.u32 $0x7, v3;
	v4 =	vand.u32 $0xFFFFFFE0, v54  }
0x77: {  	v3 =	vor.u32 v3, v4  }
0x78: {  	v4 =	vperm.xlane v3, v0;
	_ =	sdelay $0x1  }
0x79: {  	v4 =	vadd.s32 v1, v4;
	_ =	sdelay $0x1  }
0x7a: {  	v3 =	vperm.xlane v3, v2;
	_ =	sdelay $0x1  }
0x7b: {  	v3 =	vadd.s32 v1, v3  }
0x7c: {  	[hbm4b:s5+s2] =	stream.indirect_vreg.scatter [tilespmem:s1], [sflag:$0x1], $0x80, v4, vm0, $0xb8;
	[tilespmem:$0x10080] =	vst v63  }
0x7d: {  	_ = 	snop  }
0x7e: {  	[hbm4b:s7+s2] =	stream.indirect_vreg.scatter [tilespmem:s4], [sflag:$0x1], $0x80, v4, vm0, $0xb8;
	[tilespmem:$0x10080] =	vst v63  }
0x7f: {  	_ = 	snop  }
0x80: {  	[hbm4b:s5+s2] =	stream.indirect_vreg.scatter [tilespmem:s6], [sflag:$0x1], $0x80, v3, vm0, $0xb8;
	[tilespmem:$0x10080] =	vst v63  }
0x81: {  	_ = 	snop  }
0x82: {  	[hbm4b:s7+s2] =	stream.indirect_vreg.scatter [tilespmem:s8], [sflag:$0x1], $0x80, v3, vm0, $0xb8;
	[tilespmem:$0x10080] =	vst v63  }
0x83: {  	v3 =	vld [tilespmem:$0x70];
	_ =	sdelay $0x4  }
0x84: {  	v55 =	vshll.u32 v3, $0x2  }
0x85: {  	v3 =	vand.u32 $0x7, v3;
	v4 =	vand.u32 $0xFFFFFFE0, v55  }
0x86: {  	v3 =	vor.u32 v3, v4  }
0x87: {  	v4 =	vperm.xlane v3, v0;
	_ =	sdelay $0x1  }
0x88: {  	v4 =	vadd.s32 v1, v4;
	_ =	sdelay $0x1  }
0x89: {  	v3 =	vperm.xlane v3, v2;
	_ =	sdelay $0x1  }
0x8a: {  	v3 =	vadd.s32 v1, v3  }
0x8b: {  	[hbm4b:s5+s2] =	stream.indirect_vreg.scatter [tilespmem:s11], [sflag:$0x1], $0x80, v4, vm0, $0xb8;
	[tilespmem:$0x10080] =	vst v63  }
0x8c: {  	_ = 	snop  }
0x8d: {  	[hbm4b:s7+s2] =	stream.indirect_vreg.scatter [tilespmem:s12], [sflag:$0x1], $0x80, v4, vm0, $0xb8;
	[tilespmem:$0x10080] =	vst v63  }
0x8e: {  	_ = 	snop  }
0x8f: {  	[hbm4b:s5+s2] =	stream.indirect_vreg.scatter [tilespmem:s13], [sflag:$0x1], $0x80, v3, vm0, $0xb8;
	[tilespmem:$0x10080] =	vst v63  }
0x90: {  	_ = 	snop  }
0x91: {  	[hbm4b:s7+s2] =	stream.indirect_vreg.scatter [tilespmem:s14], [sflag:$0x1], $0x80, v3, vm0, $0xb8;
	[tilespmem:$0x10080] =	vst v63  }
0x92: {  	_ =	swait.ge [sflag:s10], $0x10000  }
0x93: {  	[sflag:s10] =	ssyncset.done $0x0  }
0x94: {  	s16 =	sadd.s32 s16, s18;
	[sflag:s10] =	ssyncadd.s32 $0xFFFF0000  }
0x95: {  	[tilespmem:s2], [sflag:$0x1] =	stream.linear.gather [hbm4b:s16+s2], $0x80, $0x38;
	[tilespmem:$0x10080] =	vst v63  }
0x96: {  	_ =	swait.ge [sflag:s10], $0x80  }
0x97: {  	[sflag:s10] =	ssyncset.done $0x0  }
0x98: {  	[sflag:s10] =	ssyncadd.s32 $0xFFFFFF80  }
0x99: {  	v3 =	vld [tilespmem:$0x0];
	_ =	sdelay $0x4  }
0x9a: {  	v56 =	vshll.u32 v3, $0x2  }
0x9b: {  	v3 =	vand.u32 $0x7, v3;
	v4 =	vand.u32 $0xFFFFFFE0, v56  }
0x9c: {  	v3 =	vor.u32 v3, v4  }
0x9d: {  	v4 =	vperm.xlane v3, v0;
	_ =	sdelay $0x1  }
0x9e: {  	v4 =	vadd.s32 v1, v4;
	_ =	sdelay $0x1  }
0x9f: {  	v3 =	vperm.xlane v3, v2;
	_ =	sdelay $0x1  }
0xa0: {  	v3 =	vadd.s32 v1, v3  }
0xa1: {  	[hbm4b:s5+s2] =	stream.indirect_vreg.scatter [tilespmem:s15], [sflag:$0x1], $0x80, v4, vm0, $0xb8;
	[tilespmem:$0x10080] =	vst v63  }
0xa2: {  	_ = 	snop  }
0xa3: {  	[hbm4b:s7+s2] =	stream.indirect_vreg.scatter [tilespmem:s21], [sflag:$0x1], $0x80, v4, vm0, $0xb8;
	[tilespmem:$0x10080] =	vst v63  }
0xa4: {  	s0 =	simm.s32 $0x1080  }
0xa5: {  	[hbm4b:s5+s2] =	stream.indirect_vreg.scatter [tilespmem:s0], [sflag:$0x1], $0x80, v3, vm0, $0xb8;
	[tilespmem:$0x10080] =	vst v63  }
0xa6: {  	_ = 	snop  }
0xa7: {  	[hbm4b:s7+s2] =	stream.indirect_vreg.scatter [tilespmem:s22], [sflag:$0x1], $0x80, v3, vm0, $0xb8;
	[tilespmem:$0x10080] =	vst v63  }
0xa8: {  	v3 =	vld [tilespmem:$0x10];
	_ =	sdelay $0x4  }
0xa9: {  	v57 =	vshll.u32 v3, $0x2  }
0xaa: {  	v3 =	vand.u32 $0x7, v3;
	v4 =	vand.u32 $0xFFFFFFE0, v57  }
0xab: {  	v3 =	vor.u32 v3, v4  }
0xac: {  	v4 =	vperm.xlane v3, v0;
	_ =	sdelay $0x1  }
0xad: {  	v4 =	vadd.s32 v1, v4;
	_ =	sdelay $0x1  }
0xae: {  	v3 =	vperm.xlane v3, v2;
	_ =	sdelay $0x1  }
0xaf: {  	s21 =	simm.s32 $0x2080;
	v3 =	vadd.s32 v1, v3  }
0xb0: {  	[hbm4b:s5+s2] =	stream.indirect_vreg.scatter [tilespmem:s21], [sflag:$0x1], $0x80, v4, vm0, $0xb8;
	[tilespmem:$0x10080] =	vst v63  }
0xb1: {  	_ = 	snop  }
0xb2: {  	[hbm4b:s7+s2] =	stream.indirect_vreg.scatter [tilespmem:s23], [sflag:$0x1], $0x80, v4, vm0, $0xb8;
	[tilespmem:$0x10080] =	vst v63  }
0xb3: {  	s22 =	simm.s32 $0x3080  }
0xb4: {  	[hbm4b:s5+s2] =	stream.indirect_vreg.scatter [tilespmem:s22], [sflag:$0x1], $0x80, v3, vm0, $0xb8;
	[tilespmem:$0x10080] =	vst v63  }
0xb5: {  	_ = 	snop  }
0xb6: {  	[hbm4b:s7+s2] =	stream.indirect_vreg.scatter [tilespmem:s24], [sflag:$0x1], $0x80, v3, vm0, $0xb8;
	[tilespmem:$0x10080] =	vst v63  }
0xb7: {  	v3 =	vld [tilespmem:$0x20];
	_ =	sdelay $0x4  }
0xb8: {  	v58 =	vshll.u32 v3, $0x2  }
0xb9: {  	v3 =	vand.u32 $0x7, v3;
	v4 =	vand.u32 $0xFFFFFFE0, v58  }
0xba: {  	v3 =	vor.u32 v3, v4  }
0xbb: {  	v4 =	vperm.xlane v3, v0;
	_ =	sdelay $0x1  }
0xbc: {  	v4 =	vadd.s32 v1, v4;
	_ =	sdelay $0x1  }
0xbd: {  	v3 =	vperm.xlane v3, v2;
	_ =	sdelay $0x1  }
0xbe: {  	s23 =	simm.s32 $0x4080;
	v3 =	vadd.s32 v1, v3  }
0xbf: {  	[hbm4b:s5+s2] =	stream.indirect_vreg.scatter [tilespmem:s23], [sflag:$0x1], $0x80, v4, vm0, $0xb8;
	[tilespmem:$0x10080] =	vst v63  }
0xc0: {  	_ = 	snop  }
0xc1: {  	[hbm4b:s7+s2] =	stream.indirect_vreg.scatter [tilespmem:s25], [sflag:$0x1], $0x80, v4, vm0, $0xb8;
	[tilespmem:$0x10080] =	vst v63  }
0xc2: {  	s24 =	simm.s32 $0x5080  }
0xc3: {  	[hbm4b:s5+s2] =	stream.indirect_vreg.scatter [tilespmem:s24], [sflag:$0x1], $0x80, v3, vm0, $0xb8;
	[tilespmem:$0x10080] =	vst v63  }
0xc4: {  	_ = 	snop  }
0xc5: {  	[hbm4b:s7+s2] =	stream.indirect_vreg.scatter [tilespmem:s26], [sflag:$0x1], $0x80, v3, vm0, $0xb8;
	[tilespmem:$0x10080] =	vst v63  }
0xc6: {  	v3 =	vld [tilespmem:$0x30];
	_ =	sdelay $0x4  }
0xc7: {  	v59 =	vshll.u32 v3, $0x2  }
0xc8: {  	v3 =	vand.u32 $0x7, v3;
	v4 =	vand.u32 $0xFFFFFFE0, v59  }
0xc9: {  	v3 =	vor.u32 v3, v4  }
0xca: {  	v4 =	vperm.xlane v3, v0;
	_ =	sdelay $0x1  }
0xcb: {  	v4 =	vadd.s32 v1, v4;
	_ =	sdelay $0x1  }
0xcc: {  	v3 =	vperm.xlane v3, v2;
	_ =	sdelay $0x1  }
0xcd: {  	s25 =	simm.s32 $0x6080;
	v3 =	vadd.s32 v1, v3  }
0xce: {  	[hbm4b:s5+s2] =	stream.indirect_vreg.scatter [tilespmem:s25], [sflag:$0x1], $0x80, v4, vm0, $0xb8;
	[tilespmem:$0x10080] =	vst v63  }
0xcf: {  	_ = 	snop  }
0xd0: {  	[hbm4b:s7+s2] =	stream.indirect_vreg.scatter [tilespmem:s28], [sflag:$0x1], $0x80, v4, vm0, $0xb8;
	[tilespmem:$0x10080] =	vst v63  }
0xd1: {  	s26 =	simm.s32 $0x7080  }
0xd2: {  	[hbm4b:s5+s2] =	stream.indirect_vreg.scatter [tilespmem:s26], [sflag:$0x1], $0x80, v3, vm0, $0xb8;
	[tilespmem:$0x10080] =	vst v63  }
0xd3: {  	_ = 	snop  }
0xd4: {  	[hbm4b:s7+s2] =	stream.indirect_vreg.scatter [tilespmem:s29], [sflag:$0x1], $0x80, v3, vm0, $0xb8;
	[tilespmem:$0x10080] =	vst v63  }
0xd5: {  	v3 =	vld [tilespmem:$0x40];
	_ =	sdelay $0x4  }
0xd6: {  	v60 =	vshll.u32 v3, $0x2  }
0xd7: {  	v3 =	vand.u32 $0x7, v3;
	v4 =	vand.u32 $0xFFFFFFE0, v60  }
0xd8: {  	v3 =	vor.u32 v3, v4  }
0xd9: {  	v4 =	vperm.xlane v3, v0;
	_ =	sdelay $0x1  }
0xda: {  	v4 =	vadd.s32 v1, v4;
	_ =	sdelay $0x1  }
0xdb: {  	v3 =	vperm.xlane v3, v2;
	_ =	sdelay $0x1  }
0xdc: {  	s28 =	simm.s32 $0x8080;
	v3 =	vadd.s32 v1, v3  }
0xdd: {  	[hbm4b:s5+s2] =	stream.indirect_vreg.scatter [tilespmem:s28], [sflag:$0x1], $0x80, v4, vm0, $0xb8;
	[tilespmem:$0x10080] =	vst v63  }
0xde: {  	_ = 	snop  }
0xdf: {  	[hbm4b:s7+s2] =	stream.indirect_vreg.scatter [tilespmem:s30], [sflag:$0x1], $0x80, v4, vm0, $0xb8;
	[tilespmem:$0x10080] =	vst v63  }
0xe0: {  	s29 =	simm.s32 $0x9080  }
0xe1: {  	[hbm4b:s5+s2] =	stream.indirect_vreg.scatter [tilespmem:s29], [sflag:$0x1], $0x80, v3, vm0, $0xb8;
	[tilespmem:$0x10080] =	vst v63  }
0xe2: {  	_ = 	snop  }
0xe3: {  	[hbm4b:s7+s2] =	stream.indirect_vreg.scatter [tilespmem:s31], [sflag:$0x1], $0x80, v3, vm0, $0xb8;
	[tilespmem:$0x10080] =	vst v63  }
0xe4: {  	v3 =	vld [tilespmem:$0x50];
	_ =	sdelay $0x4  }
0xe5: {  	v61 =	vshll.u32 v3, $0x2  }
0xe6: {  	v3 =	vand.u32 $0x7, v3;
	v4 =	vand.u32 $0xFFFFFFE0, v61  }
0xe7: {  	v3 =	vor.u32 v3, v4  }
0xe8: {  	v4 =	vperm.xlane v3, v0;
	_ =	sdelay $0x1  }
0xe9: {  	v4 =	vadd.s32 v1, v4;
	_ =	sdelay $0x1  }
0xea: {  	v3 =	vperm.xlane v3, v2;
	_ =	sdelay $0x1  }
0xeb: {  	s30 =	simm.s32 $0xA080;
	v3 =	vadd.s32 v1, v3  }
0xec: {  	[hbm4b:s5+s2] =	stream.indirect_vreg.scatter [tilespmem:s30], [sflag:$0x1], $0x80, v4, vm0, $0xb8;
	[tilespmem:$0x10080] =	vst v63  }
0xed: {  	s31 =	simm.s32 $0xA880  }
0xee: {  	[hbm4b:s7+s2] =	stream.indirect_vreg.scatter [tilespmem:s31], [sflag:$0x1], $0x80, v4, vm0, $0xb8;
	[tilespmem:$0x10080] =	vst v63  }
0xef: {  	_ = 	snop  }
0xf0: {  	[hbm4b:s5+s2] =	stream.indirect_vreg.scatter [tilespmem:s3], [sflag:$0x1], $0x80, v3, vm0, $0xb8;
	[tilespmem:$0x10080] =	vst v63  }
0xf1: {  	_ = 	snop  }
0xf2: {  	[hbm4b:s7+s2] =	stream.indirect_vreg.scatter [tilespmem:s9], [sflag:$0x1], $0x80, v3, vm0, $0xb8;
	[tilespmem:$0x10080] =	vst v63  }
0xf3: {  	v3 =	vld [tilespmem:$0x60];
	_ =	sdelay $0x4  }
0xf4: {  	v62 =	vshll.u32 v3, $0x2  }
0xf5: {  	v3 =	vand.u32 $0x7, v3;
	v4 =	vand.u32 $0xFFFFFFE0, v62  }
0xf6: {  	v3 =	vor.u32 v3, v4  }
0xf7: {  	v4 =	vperm.xlane v3, v0;
	_ =	sdelay $0x1  }
0xf8: {  	v4 =	vadd.s32 v1, v4;
	_ =	sdelay $0x1  }
0xf9: {  	v3 =	vperm.xlane v3, v2;
	_ =	sdelay $0x1  }
0xfa: {  	v3 =	vadd.s32 v1, v3  }
0xfb: {  	[hbm4b:s5+s2] =	stream.indirect_vreg.scatter [tilespmem:s1], [sflag:$0x1], $0x80, v4, vm0, $0xb8;
	[tilespmem:$0x10080] =	vst v63  }
0xfc: {  	_ = 	snop  }
0xfd: {  	[hbm4b:s7+s2] =	stream.indirect_vreg.scatter [tilespmem:s4], [sflag:$0x1], $0x80, v4, vm0, $0xb8;
	[tilespmem:$0x10080] =	vst v63  }
0xfe: {  	_ = 	snop  }
0xff: {  	[hbm4b:s5+s2] =	stream.indirect_vreg.scatter [tilespmem:s6], [sflag:$0x1], $0x80, v3, vm0, $0xb8;
	[tilespmem:$0x10080] =	vst v63  }
0x100: {  	_ = 	snop  }
0x101: {  	[hbm4b:s7+s2] =	stream.indirect_vreg.scatter [tilespmem:s8], [sflag:$0x1], $0x80, v3, vm0, $0xb8;
	[tilespmem:$0x10080] =	vst v63  }
0x102: {  	v3 =	vld [tilespmem:$0x70];
	_ =	sdelay $0x4  }
0x103: {  	v63 =	vshll.u32 v3, $0x2  }
0x104: {  	v3 =	vand.u32 $0x7, v3;
	v4 =	vand.u32 $0xFFFFFFE0, v63  }
0x105: {  	v3 =	vor.u32 v3, v4  }
0x106: {  	v4 =	vperm.xlane v3, v0;
	_ =	sdelay $0x1  }
0x107: {  	v4 =	vadd.s32 v1, v4;
	_ =	sdelay $0x1  }
0x108: {  	v3 =	vperm.xlane v3, v2;
	_ =	sdelay $0x1  }
0x109: {  	v3 =	vadd.s32 v1, v3  }
0x10a: {  	[hbm4b:s5+s2] =	stream.indirect_vreg.scatter [tilespmem:s11], [sflag:$0x1], $0x80, v4, vm0, $0xb8;
	[tilespmem:$0x10080] =	vst v63  }
0x10b: {  	_ = 	snop  }
0x10c: {  	[hbm4b:s7+s2] =	stream.indirect_vreg.scatter [tilespmem:s12], [sflag:$0x1], $0x80, v4, vm0, $0xb8;
	[tilespmem:$0x10080] =	vst v63  }
0x10d: {  	p1 =	por p0, p0  }
0x10e: {  	[hbm4b:s5+s2] =	stream.indirect_vreg.scatter [tilespmem:s13], [sflag:$0x1], $0x80, v3, vm0, $0xb8;
	[tilespmem:$0x10080] =	vst v63  }
.Ltmp0:
0x10f: {  	_ = 	snop;
	(pc) =	sbr.rel @p1 .LBB2_2-.Ltmp0, $4  }
0x110: {  	[hbm4b:s7+s2] =	stream.indirect_vreg.scatter [tilespmem:s14], [sflag:$0x1], $0x80, v3, vm0, $0xb8;
	[tilespmem:$0x10080] =	vst v63  }
0x111: {  	_ =	swait.ge [sflag:s10], $0x10000  }
0x112: {  	[sflag:s10] =	ssyncset.done $0x0  }
0x113: {  	p0 =	por $0x0, $0x0;
	s16 =	smov.u32 s20;
	[sflag:s10] =	ssyncadd.s32 $0xFFFF0000  }
0x114: {  	s0 =	rddreg [dreg:$0x5]  }
0x115: {  	s15 =	rddreg [dreg:$0x4];
	s0 =	sadd.s32 $0x1, s0  }
0x116: {  	p0 =	sne.s32 s0, s15  }
.Ltmp1:
0x117: {  	_ = 	snop;
	(pc) =	sbr.rel @p0 .LBB2_1-.Ltmp1, $1  }
0x118: {  	_ =	sdelay $0x3  }
0x119: {  	_ =	sfence.sel $0x180000  }
0x11a: {  	[bflag:$0x0] =	sbarrier.arrive $0xFFFF  }
0x11b: {  	_ =	strace $0x90000047  }
0x11c: {  	s0 =	stileid.u32;
	[bflag:$0x2] =	sbarrier.arrive $0xFFFF  }
0x11d: {  	p0 =	sne.s32 s0, $0x0;
	s0 =	rddreg [dreg:$0x2]  }
0x11e: {  	s0 =	sadd.s32 @!p0 $0x100000, s0  }
0x11f: {  	[sflag:s0] =	ssyncadd.tile.s32 @!p0 $0x1;
	_ =	shalt  }
.Lfunc_end2:
_tile_overlayer_lowered:
.L_overlay_start_2:
0x120: {  	(tag) =	ssettag $0x2  }
0x121: {  	s0 =	rddreg [dreg:$0x0];
	s2 =	stileid.u32  }
0x122: {  	s1 =	rddreg [dreg:$0x1];
	p0 =	sne.s32 s2, $0x0  }
0x123: {  	s3 =	rddreg [dreg:$0x2];
	[bflag:$0x3] =	sbarrier.arrive $0xFFFF;
	s2 =	simm.s32 @!p0 $0x1C01  }
0x124: {  	[timem:s3], [sflag:s2] =	dma.local @!p0 [hbm:s0], s1  }
0x125: {  	s0 =	simm.s32 @!p0 $0x1  }
0x126: {  	_ =	swait.ge @!p0 [sflag:s0], s1  }
0x127: {  	s1 =	ssub.s32 @!p0 $0x0, s1;
	[sflag:s0] =	ssyncset.done @!p0 $0x0  }
0x128: {  	[sflag:s0] =	ssyncadd.s32 @!p0 s1  }
0x129: {  	[bflag:$0x3] =	sbarrier.arrive $0xFFFF  }
0x12a: {  	_ =	shalt  }

</sc_bundles>
